<compile_context>
chip_gen: v7x
topology: tpu7x:2x2x1
jax: 0.10.2.dev20260603
libtpu: 0.0.44.dev20260713+nightly
codegen_flags: <defaults>
</compile_context>

<pallas_src>
import functools

import jax
import jax.numpy as jnp
from jax import lax
from jax.experimental import pallas as pl
from jax.experimental.pallas import tpu as pltpu
from jax.experimental.pallas import tpu_sc as plsc

BETWEEN_THRESHOLD = -2
ALPHA = 0.25
GAMMA = 2.0

_NC = 2
_NS = 16
_NW = _NC * _NS
_L = 16

_B, _A, _C, _G = 4, 120000, 80, 100
_TA = 24000
_NB = _A // _TA
_A_PAD = 128000
_CH = _A_PAD // _NW
_NV = _CH // _L
_NWR = _A // _CH
_UNROLL = 5
_GROW = 8000


def _sc_body(matched_hbm, labels_hbm, out_hbm, cnt_hbm, m_v, o_v, lab_v, c_v):
    wid = lax.axis_index("s") * _NC + lax.axis_index("c")

    @pl.when(wid < _NWR)
    def _real():
        pltpu.sync_copy(labels_hbm, lab_v)
        for b in range(_B):
            pltpu.sync_copy(
                matched_hbm.at[pl.ds(b * _A + wid * _CH, _CH)], m_v)

            def body(i, acc, b=b):
                for k in range(_UNROLL):
                    m = m_v[pl.ds((_UNROLL * i + k) * _L, _L)]
                    fg = m >= 0
                    safe_idx = jnp.where(fg, m + b * _G, 0)
                    val = plsc.load_gather(lab_v, [safe_idx])
                    gt = jnp.where(
                        fg, val, jnp.where(m == BETWEEN_THRESHOLD, -2, -1))
                    o_v[pl.ds((_UNROLL * i + k) * _L, _L)] = gt
                    acc = acc + jnp.where(fg, 1, 0)
                return acc

            acc = lax.fori_loop(0, _NV // _UNROLL, body,
                                jnp.zeros((_L,), jnp.int32))
            c_v[pl.ds(b * _L, _L)] = acc
            pltpu.sync_copy(o_v, out_hbm.at[pl.ds(b * _A_PAD + wid * _CH, _CH)])

    @pl.when(wid >= _NWR)
    def _pad():
        def zero(i, carry):
            c_v[pl.ds(i * _L, _L)] = jnp.zeros((_L,), jnp.int32)
            return carry

        lax.fori_loop(0, _B, zero, 0)

    pltpu.sync_copy(c_v, cnt_hbm.at[pl.ds(wid * _B * _L, _B * _L)])


@functools.cache
def _sc_assign():
    return pl.kernel(
        _sc_body,
        out_type=[
            jax.ShapeDtypeStruct((_B * _A_PAD,), jnp.int32),
            jax.ShapeDtypeStruct((_NW * _B * _L,), jnp.int32),
        ],
        mesh=plsc.VectorSubcoreMesh(
            core_axis_name="c", subcore_axis_name="s",
            num_cores=_NC, num_subcores=_NS,
        ),
        scratch_types=[
            pltpu.VMEM((_CH,), jnp.int32),
            pltpu.VMEM((_CH,), jnp.int32),
            pltpu.VMEM((_B * _G,), jnp.int32),
            pltpu.VMEM((_B * _L,), jnp.int32),
        ],
        compiler_params=pltpu.CompilerParams(needs_layout_passes=False),
    )


_LOG2E = 1.4426950408889634
_LN2 = 0.6931471805599453


def _chunk_loss(x, g):
    col = lax.broadcasted_iota(jnp.int32, (_GROW, _C), 1)
    mask = col == g
    z = jnp.where(mask, -x, x)
    u = jnp.exp2(z * _LOG2E)
    q = 1.0 + u
    l2 = jnp.log2(q)
    s = u * (1.0 / q)
    w = jnp.where(mask, ALPHA * _LN2, (1.0 - ALPHA) * _LN2)
    return jnp.sum((w * l2) * (s * s))


def _tc_body(x_ref, gt_ref, sum_ref):
    i = pl.program_id(1)
    bsum = sum(
        _chunk_loss(
            x_ref[0, pl.ds(k * _GROW, _GROW)],
            gt_ref[0, k, 0].reshape(_GROW, 1),
        )
        for k in range(_TA // _GROW)
    ).reshape(1, 1)

    @pl.when(i == 0)
    def _init():
        sum_ref[0] = bsum

    @pl.when(i > 0)
    def _acc():
        sum_ref[0] = sum_ref[0] + bsum


_tc_loss = pl.pallas_call(
    _tc_body,
    grid=(_B, _NB),
    in_specs=[
        pl.BlockSpec((1, _TA, _C), lambda b, i: (b, i, 0)),
        pl.BlockSpec((1, _TA // _GROW, 1, _GROW), lambda b, i: (b, i, 0, 0)),
    ],
    out_specs=pl.BlockSpec((1, 1, 1), lambda b, i: (b, 0, 0)),
    out_shape=jax.ShapeDtypeStruct((_B, 1, 1), jnp.float32),
)


def kernel(cls_logits, labels, matched_idxs):
    B, A, C = cls_logits.shape
    matched_flat = matched_idxs.reshape(-1)
    labels_flat = labels.reshape(-1)

    gt_flat, cnt_parts = _sc_assign()(matched_flat, labels_flat)
    gt4 = gt_flat.reshape(B, _A_PAD // _GROW, 1, _GROW)
    cnts = cnt_parts.reshape(_NW, B, _L).sum(axis=(0, 2)).astype(jnp.float32)

    sums = _tc_loss(cls_logits, gt4)
    losses = sums.reshape(B) / jnp.maximum(1.0, cnts)
    return losses.sum() / B

# --- scband reference (transcript-rebuilt; emitter-appended) ---
"""Pipeline reference for scband-retina-net-classification-loss-12893491822713 (READ-ONLY COPY).

The authoritative reference and input builder live on the scoring server;
editing this copy changes nothing except your own understanding.
"""

import jax, jax.numpy as jnp
import numpy as np

BETWEEN_THRESHOLD = -2
ALPHA = 0.25
GAMMA = 2.0


def setup_inputs(seed: int = 0) -> dict:
    key = jax.random.key(seed)
    k1, k2, k3 = jax.random.split(key, 3)
    B, A, C, G = 4, 120000, 80, 100
    cls_logits = jax.random.normal(k1, (B, A, C), dtype=jnp.float32)
    labels = jax.random.randint(k2, (B, G), 0, 80, dtype=jnp.int32)
    matched_idxs = jax.random.randint(k3, (B, A), 0, 100, dtype=jnp.int32)
    return {"cls_logits": cls_logits, "labels": labels, "matched_idxs": matched_idxs}


def _sigmoid_focal_loss_sum(logits, targets, valid):
    # numerically stable BCE with logits
    ce = jnp.maximum(logits, 0.0) - logits * targets + jnp.log1p(jnp.exp(-jnp.abs(logits)))
    p = jax.nn.sigmoid(logits)
    p_t = p * targets + (1.0 - p) * (1.0 - targets)
    a_t = ALPHA * targets + (1.0 - ALPHA) * (1.0 - targets)
    loss = a_t * ce * (1.0 - p_t) ** GAMMA
    return (loss * valid[:, None]).sum()


def _per_image_loss(logits, labs, matched):
    # logits: [A, C], labs: [G], matched: [A]
    fg = matched >= 0
    safe_idx = jnp.where(fg, matched, 0)
    gt_cls = jnp.take(labs, safe_idx, axis=0)                      # gather (SparseCore)
    onehot = jax.nn.one_hot(gt_cls, logits.shape[-1], dtype=logits.dtype)
    gt_classes_target = onehot * fg[:, None].astype(logits.dtype)  # scatter of 1.0 at fg rows
    valid = (matched != BETWEEN_THRESHOLD).astype(logits.dtype)
    num_fg = fg.sum()
    loss_sum = _sigmoid_focal_loss_sum(logits, gt_classes_target, valid)
    return loss_sum / jnp.maximum(1, num_fg).astype(logits.dtype)


def reference(cls_logits, labels, matched_idxs):
    losses = jax.vmap(_per_image_loss)(cls_logits, labels, matched_idxs)
    return losses.sum() / cls_logits.shape[0]

if __name__ == "__main__":
    import jax
    _d = setup_inputs()
    print(jax.jit(kernel)(*tuple(_d.values())))

</pallas_src>

<mosaic_0001>
#map = affine_map<(d0, d1) -> (0)>
module attributes {stable_mosaic.version = 14 : i64} {
  func.func @_sc_body(%arg0: i32, %arg1: i32, %arg2: memref<480000xi32, #tpu.memory_space<hbm>>, %arg3: memref<400xi32, #tpu.memory_space<hbm>>, %arg4: memref<512000xi32, #tpu.memory_space<hbm>>, %arg5: memref<2048xi32, #tpu.memory_space<hbm>>, %arg6: memref<4000xi32, #tpu.memory_space<vmem>>, %arg7: memref<4000xi32, #tpu.memory_space<vmem>>, %arg8: memref<400xi32, #tpu.memory_space<vmem>>, %arg9: memref<64xi32, #tpu.memory_space<vmem>>) attributes {dimension_semantics = [#tpu.dimension_semantics<core_parallel>, #tpu.dimension_semantics<subcore_parallel>], iteration_bounds = array<i64: 2, 16>, scalar_prefetch = 0 : i64, scratch_operands = 4 : i64, tpu.core_type = #tpu.core_type<sc_vector_subcore>, window_params = [{transform_indices = #map}, {transform_indices = #map}, {transform_indices = #map}, {transform_indices = #map}]} {
    %mul3A = arith.constant 2 : i32
    %mul3A_0 = arith.muli %arg1, %mul3A : i32
    %add3A = arith.addi %mul3A_0, %arg0 : i32
    %lt3A = arith.constant 30 : i32
    %lt3A_1 = arith.cmpi slt, %add3A, %lt3A : i32
    %convert_element_type3A = arith.extui %lt3A_1 : i1 to i32
    %cond3A = arith.constant 0 : i32
    %cond3A_2 = arith.cmpi ne, %convert_element_type3A, %cond3A : i32
    scf.if %cond3A_2 {
      "tpu.region"() ({
        %run_scoped3A = tpu.sem_alloc : memref<!tpu.dma_semaphore, #tpu.memory_space<semaphore_mem>>
        tpu.enqueue_dma source(%arg3 : memref<400xi32, #tpu.memory_space<hbm>>) target(%arg8 : memref<400xi32, #tpu.memory_space<vmem>>) target_semaphore(%run_scoped3A : memref<!tpu.dma_semaphore, #tpu.memory_space<semaphore_mem>>)
        tpu.wait_dma2 semaphore(%run_scoped3A : memref<!tpu.dma_semaphore, #tpu.memory_space<semaphore_mem>>) src(%arg3 : memref<400xi32, #tpu.memory_space<hbm>>) dst(%arg8 : memref<400xi32, #tpu.memory_space<vmem>>)
        tpu.yield
      }) : () -> ()
      %mul3A_11 = arith.constant 4000 : i32
      %mul3A_12 = arith.muli %add3A, %mul3A_11 : i32
      %add3A_13 = arith.constant 0 : i32
      %add3A_14 = arith.addi %add3A_13, %mul3A_12 : i32
      "tpu.region"() ({
        %run_scoped3A = tpu.sem_alloc : memref<!tpu.dma_semaphore, #tpu.memory_space<semaphore_mem>>
        %dma_start3A = tpu.memref_slice %arg2[%add3A_14] : memref<480000xi32, #tpu.memory_space<hbm>> -> memref<4000xi32, #tpu.memory_space<hbm>>
        %dma_start3A_80 = tpu.memref_slice %arg2[%add3A_14] : memref<480000xi32, #tpu.memory_space<hbm>> -> memref<4000xi32, #tpu.memory_space<hbm>>
        tpu.enqueue_dma source(%dma_start3A_80 : memref<4000xi32, #tpu.memory_space<hbm>>) target(%arg6 : memref<4000xi32, #tpu.memory_space<vmem>>) target_semaphore(%run_scoped3A : memref<!tpu.dma_semaphore, #tpu.memory_space<semaphore_mem>>)
        %dma_wait3A = tpu.memref_slice %arg2[%add3A_14] : memref<480000xi32, #tpu.memory_space<hbm>> -> memref<4000xi32, #tpu.memory_space<hbm>>
        %dma_wait3A_81 = tpu.memref_slice %arg2[%add3A_14] : memref<480000xi32, #tpu.memory_space<hbm>> -> memref<4000xi32, #tpu.memory_space<hbm>>
        tpu.wait_dma2 semaphore(%run_scoped3A : memref<!tpu.dma_semaphore, #tpu.memory_space<semaphore_mem>>) src(%dma_wait3A_81 : memref<4000xi32, #tpu.memory_space<hbm>>) dst(%arg6 : memref<4000xi32, #tpu.memory_space<vmem>>)
        tpu.yield
      }) : () -> ()
      %broadcast_in_dim3A = arith.constant 0 : i32
      %broadcast_in_dim3A_15 = vector.broadcast %broadcast_in_dim3A : i32 to vector<16xi32>
      %scan3A = arith.constant 0 : i32
      %scan3A_16 = arith.constant 50 : i32
      %scan3A_17 = arith.addi %scan3A, %scan3A_16 : i32
      %scan3A_18 = arith.constant 1 : i32
      %scan3A_19 = scf.for %scan3A_80 = %scan3A to %scan3A_17 step %scan3A_18 iter_args(%scan3A_81 = %broadcast_in_dim3A_15) -> (vector<16xi32>)  : i32 {
        %mul3A_82 = arith.constant 5 : i32
        %mul3A_83 = arith.muli %mul3A_82, %scan3A_80 : i32
        %add3A_84 = arith.constant 0 : i32
        %add3A_85 = arith.addi %mul3A_83, %add3A_84 : i32
        %mul3A_86 = arith.constant 16 : i32
        %mul3A_87 = arith.muli %add3A_85, %mul3A_86 : i32
        %get3A = arith.index_cast %mul3A_87 : i32 to index
        %get3A_88 = tpu.vector_load %arg6[%get3A] {strides = array<i32>} : memref<4000xi32, #tpu.memory_space<vmem>>, vector<16xi32>,
        %ge3A_89 = arith.constant 0 : i32
        %ge3A_90 = vector.broadcast %ge3A_89 : i32 to vector<16xi32>
        %ge3A_91 = arith.cmpi sge, %get3A_88, %ge3A_90 : vector<16xi32>
        %add3A_92 = arith.constant 0 : i32
        %add3A_93 = vector.broadcast %add3A_92 : i32 to vector<16xi32>
        %add3A_94 = arith.addi %get3A_88, %add3A_93 : vector<16xi32>
        %jit3A = arith.constant 0 : i32
        %broadcast_in_dim3A_95 = vector.broadcast %jit3A : i32 to vector<16xi32>
        %select_n3A = arith.select %ge3A_91, %add3A_94, %broadcast_in_dim3A_95 : vector<16xi1>, vector<16xi32>
        %gather3A = tpu.vector_load_idx %arg8[%select_n3A] : memref<400xi32, #tpu.memory_space<vmem>>[vector<16xi32>], vector<16xi32>,
        %eq3A = arith.constant -2 : i32
        %eq3A_96 = vector.broadcast %eq3A : i32 to vector<16xi32>
        %eq3A_97 = arith.cmpi eq, %get3A_88, %eq3A_96 : vector<16xi32>
        %jit3A_98 = arith.constant -2 : i32
        %jit3A_99 = arith.constant -1 : i32
        %broadcast_in_dim3A_100 = vector.broadcast %jit3A_98 : i32 to vector<16xi32>
        %broadcast_in_dim3A_101 = vector.broadcast %jit3A_99 : i32 to vector<16xi32>
        %select_n3A_102 = arith.select %eq3A_97, %broadcast_in_dim3A_100, %broadcast_in_dim3A_101 : vector<16xi1>, vector<16xi32>
        %select_n3A_103 = arith.select %ge3A_91, %gather3A, %select_n3A_102 : vector<16xi1>, vector<16xi32>
        %mul3A_104 = arith.constant 5 : i32
        %mul3A_105 = arith.muli %mul3A_104, %scan3A_80 : i32
        %add3A_106 = arith.constant 0 : i32
        %add3A_107 = arith.addi %mul3A_105, %add3A_106 : i32
        %mul3A_108 = arith.constant 16 : i32
        %mul3A_109 = arith.muli %add3A_107, %mul3A_108 : i32
        %swap3A_110 = arith.index_cast %mul3A_109 : i32 to index
        %swap3A_111 = tpu.vector_load %arg7[%swap3A_110] {strides = array<i32>} : memref<4000xi32, #tpu.memory_space<vmem>>, vector<16xi32>,
        tpu.vector_store %arg7[%swap3A_110], %select_n3A_103 {strides = array<i32>} : memref<4000xi32, #tpu.memory_space<vmem>>, vector<16xi32>,
        %jit3A_112 = arith.constant 1 : i32
        %jit3A_113 = arith.constant 0 : i32
        %broadcast_in_dim3A_114 = vector.broadcast %jit3A_112 : i32 to vector<16xi32>
        %broadcast_in_dim3A_115 = vector.broadcast %jit3A_113 : i32 to vector<16xi32>
        %select_n3A_116 = arith.select %ge3A_91, %broadcast_in_dim3A_114, %broadcast_in_dim3A_115 : vector<16xi1>, vector<16xi32>
        %add3A_117 = arith.addi %scan3A_81, %select_n3A_116 : vector<16xi32>
        %mul3A_118 = arith.constant 5 : i32
        %mul3A_119 = arith.muli %mul3A_118, %scan3A_80 : i32
        %add3A_120 = arith.constant 1 : i32
        %add3A_121 = arith.addi %mul3A_119, %add3A_120 : i32
        %mul3A_122 = arith.constant 16 : i32
        %mul3A_123 = arith.muli %add3A_121, %mul3A_122 : i32
        %get3A_124 = arith.index_cast %mul3A_123 : i32 to index
        %get3A_125 = tpu.vector_load %arg6[%get3A_124] {strides = array<i32>} : memref<4000xi32, #tpu.memory_space<vmem>>, vector<16xi32>,
        %ge3A_126 = arith.constant 0 : i32
        %ge3A_127 = vector.broadcast %ge3A_126 : i32 to vector<16xi32>
        %ge3A_128 = arith.cmpi sge, %get3A_125, %ge3A_127 : vector<16xi32>
        %add3A_129 = arith.constant 0 : i32
        %add3A_130 = vector.broadcast %add3A_129 : i32 to vector<16xi32>
        %add3A_131 = arith.addi %get3A_125, %add3A_130 : vector<16xi32>
        %jit3A_132 = arith.constant 0 : i32
        %broadcast_in_dim3A_133 = vector.broadcast %jit3A_132 : i32 to vector<16xi32>
        %select_n3A_134 = arith.select %ge3A_128, %add3A_131, %broadcast_in_dim3A_133 : vector<16xi1>, vector<16xi32>
        %gather3A_135 = tpu.vector_load_idx %arg8[%select_n3A_134] : memref<400xi32, #tpu.memory_space<vmem>>[vector<16xi32>], vector<16xi32>,
        %eq3A_136 = arith.constant -2 : i32
        %eq3A_137 = vector.broadcast %eq3A_136 : i32 to vector<16xi32>
        %eq3A_138 = arith.cmpi eq, %get3A_125, %eq3A_137 : vector<16xi32>
        %jit3A_139 = arith.constant -2 : i32
        %jit3A_140 = arith.constant -1 : i32
        %broadcast_in_dim3A_141 = vector.broadcast %jit3A_139 : i32 to vector<16xi32>
        %broadcast_in_dim3A_142 = vector.broadcast %jit3A_140 : i32 to vector<16xi32>
        %select_n3A_143 = arith.select %eq3A_138, %broadcast_in_dim3A_141, %broadcast_in_dim3A_142 : vector<16xi1>, vector<16xi32>
        %select_n3A_144 = arith.select %ge3A_128, %gather3A_135, %select_n3A_143 : vector<16xi1>, vector<16xi32>
        %mul3A_145 = arith.constant 5 : i32
        %mul3A_146 = arith.muli %mul3A_145, %scan3A_80 : i32
        %add3A_147 = arith.constant 1 : i32
        %add3A_148 = arith.addi %mul3A_146, %add3A_147 : i32
        %mul3A_149 = arith.constant 16 : i32
        %mul3A_150 = arith.muli %add3A_148, %mul3A_149 : i32
        %swap3A_151 = arith.index_cast %mul3A_150 : i32 to index
        %swap3A_152 = tpu.vector_load %arg7[%swap3A_151] {strides = array<i32>} : memref<4000xi32, #tpu.memory_space<vmem>>, vector<16xi32>,
        tpu.vector_store %arg7[%swap3A_151], %select_n3A_144 {strides = array<i32>} : memref<4000xi32, #tpu.memory_space<vmem>>, vector<16xi32>,
        %jit3A_153 = arith.constant 1 : i32
        %jit3A_154 = arith.constant 0 : i32
        %broadcast_in_dim3A_155 = vector.broadcast %jit3A_153 : i32 to vector<16xi32>
        %broadcast_in_dim3A_156 = vector.broadcast %jit3A_154 : i32 to vector<16xi32>
        %select_n3A_157 = arith.select %ge3A_128, %broadcast_in_dim3A_155, %broadcast_in_dim3A_156 : vector<16xi1>, vector<16xi32>
        %add3A_158 = arith.addi %add3A_117, %select_n3A_157 : vector<16xi32>
        %mul3A_159 = arith.constant 5 : i32
        %mul3A_160 = arith.muli %mul3A_159, %scan3A_80 : i32
        %add3A_161 = arith.constant 2 : i32
        %add3A_162 = arith.addi %mul3A_160, %add3A_161 : i32
        %mul3A_163 = arith.constant 16 : i32
        %mul3A_164 = arith.muli %add3A_162, %mul3A_163 : i32
        %get3A_165 = arith.index_cast %mul3A_164 : i32 to index
        %get3A_166 = tpu.vector_load %arg6[%get3A_165] {strides = array<i32>} : memref<4000xi32, #tpu.memory_space<vmem>>, vector<16xi32>,
        %ge3A_167 = arith.constant 0 : i32
        %ge3A_168 = vector.broadcast %ge3A_167 : i32 to vector<16xi32>
        %ge3A_169 = arith.cmpi sge, %get3A_166, %ge3A_168 : vector<16xi32>
        %add3A_170 = arith.constant 0 : i32
        %add3A_171 = vector.broadcast %add3A_170 : i32 to vector<16xi32>
        %add3A_172 = arith.addi %get3A_166, %add3A_171 : vector<16xi32>
        %jit3A_173 = arith.constant 0 : i32
        %broadcast_in_dim3A_174 = vector.broadcast %jit3A_173 : i32 to vector<16xi32>
        %select_n3A_175 = arith.select %ge3A_169, %add3A_172, %broadcast_in_dim3A_174 : vector<16xi1>, vector<16xi32>
        %gather3A_176 = tpu.vector_load_idx %arg8[%select_n3A_175] : memref<400xi32, #tpu.memory_space<vmem>>[vector<16xi32>], vector<16xi32>,
        %eq3A_177 = arith.constant -2 : i32
        %eq3A_178 = vector.broadcast %eq3A_177 : i32 to vector<16xi32>
        %eq3A_179 = arith.cmpi eq, %get3A_166, %eq3A_178 : vector<16xi32>
        %jit3A_180 = arith.constant -2 : i32
        %jit3A_181 = arith.constant -1 : i32
        %broadcast_in_dim3A_182 = vector.broadcast %jit3A_180 : i32 to vector<16xi32>
        %broadcast_in_dim3A_183 = vector.broadcast %jit3A_181 : i32 to vector<16xi32>
        %select_n3A_184 = arith.select %eq3A_179, %broadcast_in_dim3A_182, %broadcast_in_dim3A_183 : vector<16xi1>, vector<16xi32>
        %select_n3A_185 = arith.select %ge3A_169, %gather3A_176, %select_n3A_184 : vector<16xi1>, vector<16xi32>
        %mul3A_186 = arith.constant 5 : i32
        %mul3A_187 = arith.muli %mul3A_186, %scan3A_80 : i32
        %add3A_188 = arith.constant 2 : i32
        %add3A_189 = arith.addi %mul3A_187, %add3A_188 : i32
        %mul3A_190 = arith.constant 16 : i32
        %mul3A_191 = arith.muli %add3A_189, %mul3A_190 : i32
        %swap3A_192 = arith.index_cast %mul3A_191 : i32 to index
        %swap3A_193 = tpu.vector_load %arg7[%swap3A_192] {strides = array<i32>} : memref<4000xi32, #tpu.memory_space<vmem>>, vector<16xi32>,
        tpu.vector_store %arg7[%swap3A_192], %select_n3A_185 {strides = array<i32>} : memref<4000xi32, #tpu.memory_space<vmem>>, vector<16xi32>,
        %jit3A_194 = arith.constant 1 : i32
        %jit3A_195 = arith.constant 0 : i32
        %broadcast_in_dim3A_196 = vector.broadcast %jit3A_194 : i32 to vector<16xi32>
        %broadcast_in_dim3A_197 = vector.broadcast %jit3A_195 : i32 to vector<16xi32>
        %select_n3A_198 = arith.select %ge3A_169, %broadcast_in_dim3A_196, %broadcast_in_dim3A_197 : vector<16xi1>, vector<16xi32>
        %add3A_199 = arith.addi %add3A_158, %select_n3A_198 : vector<16xi32>
        %mul3A_200 = arith.constant 5 : i32
        %mul3A_201 = arith.muli %mul3A_200, %scan3A_80 : i32
        %add3A_202 = arith.constant 3 : i32
        %add3A_203 = arith.addi %mul3A_201, %add3A_202 : i32
        %mul3A_204 = arith.constant 16 : i32
        %mul3A_205 = arith.muli %add3A_203, %mul3A_204 : i32
        %get3A_206 = arith.index_cast %mul3A_205 : i32 to index
        %get3A_207 = tpu.vector_load %arg6[%get3A_206] {strides = array<i32>} : memref<4000xi32, #tpu.memory_space<vmem>>, vector<16xi32>,
        %ge3A_208 = arith.constant 0 : i32
        %ge3A_209 = vector.broadcast %ge3A_208 : i32 to vector<16xi32>
        %ge3A_210 = arith.cmpi sge, %get3A_207, %ge3A_209 : vector<16xi32>
        %add3A_211 = arith.constant 0 : i32
        %add3A_212 = vector.broadcast %add3A_211 : i32 to vector<16xi32>
        %add3A_213 = arith.addi %get3A_207, %add3A_212 : vector<16xi32>
        %jit3A_214 = arith.constant 0 : i32
        %broadcast_in_dim3A_215 = vector.broadcast %jit3A_214 : i32 to vector<16xi32>
        %select_n3A_216 = arith.select %ge3A_210, %add3A_213, %broadcast_in_dim3A_215 : vector<16xi1>, vector<16xi32>
        %gather3A_217 = tpu.vector_load_idx %arg8[%select_n3A_216] : memref<400xi32, #tpu.memory_space<vmem>>[vector<16xi32>], vector<16xi32>,
        %eq3A_218 = arith.constant -2 : i32
        %eq3A_219 = vector.broadcast %eq3A_218 : i32 to vector<16xi32>
        %eq3A_220 = arith.cmpi eq, %get3A_207, %eq3A_219 : vector<16xi32>
        %jit3A_221 = arith.constant -2 : i32
        %jit3A_222 = arith.constant -1 : i32
        %broadcast_in_dim3A_223 = vector.broadcast %jit3A_221 : i32 to vector<16xi32>
        %broadcast_in_dim3A_224 = vector.broadcast %jit3A_222 : i32 to vector<16xi32>
        %select_n3A_225 = arith.select %eq3A_220, %broadcast_in_dim3A_223, %broadcast_in_dim3A_224 : vector<16xi1>, vector<16xi32>
        %select_n3A_226 = arith.select %ge3A_210, %gather3A_217, %select_n3A_225 : vector<16xi1>, vector<16xi32>
        %mul3A_227 = arith.constant 5 : i32
        %mul3A_228 = arith.muli %mul3A_227, %scan3A_80 : i32
        %add3A_229 = arith.constant 3 : i32
        %add3A_230 = arith.addi %mul3A_228, %add3A_229 : i32
        %mul3A_231 = arith.constant 16 : i32
        %mul3A_232 = arith.muli %add3A_230, %mul3A_231 : i32
        %swap3A_233 = arith.index_cast %mul3A_232 : i32 to index
        %swap3A_234 = tpu.vector_load %arg7[%swap3A_233] {strides = array<i32>} : memref<4000xi32, #tpu.memory_space<vmem>>, vector<16xi32>,
        tpu.vector_store %arg7[%swap3A_233], %select_n3A_226 {strides = array<i32>} : memref<4000xi32, #tpu.memory_space<vmem>>, vector<16xi32>,
        %jit3A_235 = arith.constant 1 : i32
        %jit3A_236 = arith.constant 0 : i32
        %broadcast_in_dim3A_237 = vector.broadcast %jit3A_235 : i32 to vector<16xi32>
        %broadcast_in_dim3A_238 = vector.broadcast %jit3A_236 : i32 to vector<16xi32>
        %select_n3A_239 = arith.select %ge3A_210, %broadcast_in_dim3A_237, %broadcast_in_dim3A_238 : vector<16xi1>, vector<16xi32>
        %add3A_240 = arith.addi %add3A_199, %select_n3A_239 : vector<16xi32>
        %mul3A_241 = arith.constant 5 : i32
        %mul3A_242 = arith.muli %mul3A_241, %scan3A_80 : i32
        %add3A_243 = arith.constant 4 : i32
        %add3A_244 = arith.addi %mul3A_242, %add3A_243 : i32
        %mul3A_245 = arith.constant 16 : i32
        %mul3A_246 = arith.muli %add3A_244, %mul3A_245 : i32
        %get3A_247 = arith.index_cast %mul3A_246 : i32 to index
        %get3A_248 = tpu.vector_load %arg6[%get3A_247] {strides = array<i32>} : memref<4000xi32, #tpu.memory_space<vmem>>, vector<16xi32>,
        %ge3A_249 = arith.constant 0 : i32
        %ge3A_250 = vector.broadcast %ge3A_249 : i32 to vector<16xi32>
        %ge3A_251 = arith.cmpi sge, %get3A_248, %ge3A_250 : vector<16xi32>
        %add3A_252 = arith.constant 0 : i32
        %add3A_253 = vector.broadcast %add3A_252 : i32 to vector<16xi32>
        %add3A_254 = arith.addi %get3A_248, %add3A_253 : vector<16xi32>
        %jit3A_255 = arith.constant 0 : i32
        %broadcast_in_dim3A_256 = vector.broadcast %jit3A_255 : i32 to vector<16xi32>
        %select_n3A_257 = arith.select %ge3A_251, %add3A_254, %broadcast_in_dim3A_256 : vector<16xi1>, vector<16xi32>
        %gather3A_258 = tpu.vector_load_idx %arg8[%select_n3A_257] : memref<400xi32, #tpu.memory_space<vmem>>[vector<16xi32>], vector<16xi32>,
        %eq3A_259 = arith.constant -2 : i32
        %eq3A_260 = vector.broadcast %eq3A_259 : i32 to vector<16xi32>
        %eq3A_261 = arith.cmpi eq, %get3A_248, %eq3A_260 : vector<16xi32>
        %jit3A_262 = arith.constant -2 : i32
        %jit3A_263 = arith.constant -1 : i32
        %broadcast_in_dim3A_264 = vector.broadcast %jit3A_262 : i32 to vector<16xi32>
        %broadcast_in_dim3A_265 = vector.broadcast %jit3A_263 : i32 to vector<16xi32>
        %select_n3A_266 = arith.select %eq3A_261, %broadcast_in_dim3A_264, %broadcast_in_dim3A_265 : vector<16xi1>, vector<16xi32>
        %select_n3A_267 = arith.select %ge3A_251, %gather3A_258, %select_n3A_266 : vector<16xi1>, vector<16xi32>
        %mul3A_268 = arith.constant 5 : i32
        %mul3A_269 = arith.muli %mul3A_268, %scan3A_80 : i32
        %add3A_270 = arith.constant 4 : i32
        %add3A_271 = arith.addi %mul3A_269, %add3A_270 : i32
        %mul3A_272 = arith.constant 16 : i32
        %mul3A_273 = arith.muli %add3A_271, %mul3A_272 : i32
        %swap3A_274 = arith.index_cast %mul3A_273 : i32 to index
        %swap3A_275 = tpu.vector_load %arg7[%swap3A_274] {strides = array<i32>} : memref<4000xi32, #tpu.memory_space<vmem>>, vector<16xi32>,
        tpu.vector_store %arg7[%swap3A_274], %select_n3A_267 {strides = array<i32>} : memref<4000xi32, #tpu.memory_space<vmem>>, vector<16xi32>,
        %jit3A_276 = arith.constant 1 : i32
        %jit3A_277 = arith.constant 0 : i32
        %broadcast_in_dim3A_278 = vector.broadcast %jit3A_276 : i32 to vector<16xi32>
        %broadcast_in_dim3A_279 = vector.broadcast %jit3A_277 : i32 to vector<16xi32>
        %select_n3A_280 = arith.select %ge3A_251, %broadcast_in_dim3A_278, %broadcast_in_dim3A_279 : vector<16xi1>, vector<16xi32>
        %add3A_281 = arith.addi %add3A_240, %select_n3A_280 : vector<16xi32>
        scf.yield %add3A_281 : vector<16xi32>
      }
      %scan3A_20 = arith.constant 50 : i32
      %swap3A = arith.constant 0 : index
      %swap3A_21 = tpu.vector_load %arg9[%swap3A] {strides = array<i32>} : memref<64xi32, #tpu.memory_space<vmem>>, vector<16xi32>,
      tpu.vector_store %arg9[%swap3A], %scan3A_19 {strides = array<i32>} : memref<64xi32, #tpu.memory_space<vmem>>, vector<16xi32>,
      %mul3A_22 = arith.constant 4000 : i32
      %mul3A_23 = arith.muli %add3A, %mul3A_22 : i32
      %add3A_24 = arith.constant 0 : i32
      %add3A_25 = arith.addi %add3A_24, %mul3A_23 : i32
      "tpu.region"() ({
        %run_scoped3A = tpu.sem_alloc : memref<!tpu.dma_semaphore, #tpu.memory_space<semaphore_mem>>
        %dma_start3A = tpu.memref_slice %arg4[%add3A_25] : memref<512000xi32, #tpu.memory_space<hbm>> -> memref<4000xi32, #tpu.memory_space<hbm>>
        %dma_start3A_80 = tpu.memref_slice %arg4[%add3A_25] : memref<512000xi32, #tpu.memory_space<hbm>> -> memref<4000xi32, #tpu.memory_space<hbm>>
        tpu.enqueue_dma source(%arg7 : memref<4000xi32, #tpu.memory_space<vmem>>) target(%dma_start3A_80 : memref<4000xi32, #tpu.memory_space<hbm>>) target_semaphore(%run_scoped3A : memref<!tpu.dma_semaphore, #tpu.memory_space<semaphore_mem>>)
        %dma_wait3A = tpu.memref_slice %arg4[%add3A_25] : memref<512000xi32, #tpu.memory_space<hbm>> -> memref<4000xi32, #tpu.memory_space<hbm>>
        %dma_wait3A_81 = tpu.memref_slice %arg4[%add3A_25] : memref<512000xi32, #tpu.memory_space<hbm>> -> memref<4000xi32, #tpu.memory_space<hbm>>
        tpu.wait_dma2 semaphore(%run_scoped3A : memref<!tpu.dma_semaphore, #tpu.memory_space<semaphore_mem>>) src(%arg7 : memref<4000xi32, #tpu.memory_space<vmem>>) dst(%dma_wait3A_81 : memref<4000xi32, #tpu.memory_space<hbm>>)
        tpu.yield
      }) : () -> ()
      %mul3A_26 = arith.constant 4000 : i32
      %mul3A_27 = arith.muli %add3A, %mul3A_26 : i32
      %add3A_28 = arith.constant 120000 : i32
      %add3A_29 = arith.addi %add3A_28, %mul3A_27 : i32
      "tpu.region"() ({
        %run_scoped3A = tpu.sem_alloc : memref<!tpu.dma_semaphore, #tpu.memory_space<semaphore_mem>>
        %dma_start3A = tpu.memref_slice %arg2[%add3A_29] : memref<480000xi32, #tpu.memory_space<hbm>> -> memref<4000xi32, #tpu.memory_space<hbm>>
        %dma_start3A_80 = tpu.memref_slice %arg2[%add3A_29] : memref<480000xi32, #tpu.memory_space<hbm>> -> memref<4000xi32, #tpu.memory_space<hbm>>
        tpu.enqueue_dma source(%dma_start3A_80 : memref<4000xi32, #tpu.memory_space<hbm>>) target(%arg6 : memref<4000xi32, #tpu.memory_space<vmem>>) target_semaphore(%run_scoped3A : memref<!tpu.dma_semaphore, #tpu.memory_space<semaphore_mem>>)
        %dma_wait3A = tpu.memref_slice %arg2[%add3A_29] : memref<480000xi32, #tpu.memory_space<hbm>> -> memref<4000xi32, #tpu.memory_space<hbm>>
        %dma_wait3A_81 = tpu.memref_slice %arg2[%add3A_29] : memref<480000xi32, #tpu.memory_space<hbm>> -> memref<4000xi32, #tpu.memory_space<hbm>>
        tpu.wait_dma2 semaphore(%run_scoped3A : memref<!tpu.dma_semaphore, #tpu.memory_space<semaphore_mem>>) src(%dma_wait3A_81 : memref<4000xi32, #tpu.memory_space<hbm>>) dst(%arg6 : memref<4000xi32, #tpu.memory_space<vmem>>)
        tpu.yield
      }) : () -> ()
      %broadcast_in_dim3A_30 = arith.constant 0 : i32
      %broadcast_in_dim3A_31 = vector.broadcast %broadcast_in_dim3A_30 : i32 to vector<16xi32>
      %scan3A_32 = arith.constant 0 : i32
      %scan3A_33 = arith.constant 50 : i32
      %scan3A_34 = arith.addi %scan3A_32, %scan3A_33 : i32
      %scan3A_35 = arith.constant 1 : i32
      %scan3A_36 = scf.for %scan3A_80 = %scan3A_32 to %scan3A_34 step %scan3A_35 iter_args(%scan3A_81 = %broadcast_in_dim3A_31) -> (vector<16xi32>)  : i32 {
        %mul3A_82 = arith.constant 5 : i32
        %mul3A_83 = arith.muli %mul3A_82, %scan3A_80 : i32
        %add3A_84 = arith.constant 0 : i32
        %add3A_85 = arith.addi %mul3A_83, %add3A_84 : i32
        %mul3A_86 = arith.constant 16 : i32
        %mul3A_87 = arith.muli %add3A_85, %mul3A_86 : i32
        %get3A = arith.index_cast %mul3A_87 : i32 to index
        %get3A_88 = tpu.vector_load %arg6[%get3A] {strides = array<i32>} : memref<4000xi32, #tpu.memory_space<vmem>>, vector<16xi32>,
        %ge3A_89 = arith.constant 0 : i32
        %ge3A_90 = vector.broadcast %ge3A_89 : i32 to vector<16xi32>
        %ge3A_91 = arith.cmpi sge, %get3A_88, %ge3A_90 : vector<16xi32>
        %add3A_92 = arith.constant 100 : i32
        %add3A_93 = vector.broadcast %add3A_92 : i32 to vector<16xi32>
        %add3A_94 = arith.addi %get3A_88, %add3A_93 : vector<16xi32>
        %jit3A = arith.constant 0 : i32
        %broadcast_in_dim3A_95 = vector.broadcast %jit3A : i32 to vector<16xi32>
        %select_n3A = arith.select %ge3A_91, %add3A_94, %broadcast_in_dim3A_95 : vector<16xi1>, vector<16xi32>
        %gather3A = tpu.vector_load_idx %arg8[%select_n3A] : memref<400xi32, #tpu.memory_space<vmem>>[vector<16xi32>], vector<16xi32>,
        %eq3A = arith.constant -2 : i32
        %eq3A_96 = vector.broadcast %eq3A : i32 to vector<16xi32>
        %eq3A_97 = arith.cmpi eq, %get3A_88, %eq3A_96 : vector<16xi32>
        %jit3A_98 = arith.constant -2 : i32
        %jit3A_99 = arith.constant -1 : i32
        %broadcast_in_dim3A_100 = vector.broadcast %jit3A_98 : i32 to vector<16xi32>
        %broadcast_in_dim3A_101 = vector.broadcast %jit3A_99 : i32 to vector<16xi32>
        %select_n3A_102 = arith.select %eq3A_97, %broadcast_in_dim3A_100, %broadcast_in_dim3A_101 : vector<16xi1>, vector<16xi32>
        %select_n3A_103 = arith.select %ge3A_91, %gather3A, %select_n3A_102 : vector<16xi1>, vector<16xi32>
        %mul3A_104 = arith.constant 5 : i32
        %mul3A_105 = arith.muli %mul3A_104, %scan3A_80 : i32
        %add3A_106 = arith.constant 0 : i32
        %add3A_107 = arith.addi %mul3A_105, %add3A_106 : i32
        %mul3A_108 = arith.constant 16 : i32
        %mul3A_109 = arith.muli %add3A_107, %mul3A_108 : i32
        %swap3A_110 = arith.index_cast %mul3A_109 : i32 to index
        %swap3A_111 = tpu.vector_load %arg7[%swap3A_110] {strides = array<i32>} : memref<4000xi32, #tpu.memory_space<vmem>>, vector<16xi32>,
        tpu.vector_store %arg7[%swap3A_110], %select_n3A_103 {strides = array<i32>} : memref<4000xi32, #tpu.memory_space<vmem>>, vector<16xi32>,
        %jit3A_112 = arith.constant 1 : i32
        %jit3A_113 = arith.constant 0 : i32
        %broadcast_in_dim3A_114 = vector.broadcast %jit3A_112 : i32 to vector<16xi32>
        %broadcast_in_dim3A_115 = vector.broadcast %jit3A_113 : i32 to vector<16xi32>
        %select_n3A_116 = arith.select %ge3A_91, %broadcast_in_dim3A_114, %broadcast_in_dim3A_115 : vector<16xi1>, vector<16xi32>
        %add3A_117 = arith.addi %scan3A_81, %select_n3A_116 : vector<16xi32>
        %mul3A_118 = arith.constant 5 : i32
        %mul3A_119 = arith.muli %mul3A_118, %scan3A_80 : i32
        %add3A_120 = arith.constant 1 : i32
        %add3A_121 = arith.addi %mul3A_119, %add3A_120 : i32
        %mul3A_122 = arith.constant 16 : i32
        %mul3A_123 = arith.muli %add3A_121, %mul3A_122 : i32
        %get3A_124 = arith.index_cast %mul3A_123 : i32 to index
        %get3A_125 = tpu.vector_load %arg6[%get3A_124] {strides = array<i32>} : memref<4000xi32, #tpu.memory_space<vmem>>, vector<16xi32>,
        %ge3A_126 = arith.constant 0 : i32
        %ge3A_127 = vector.broadcast %ge3A_126 : i32 to vector<16xi32>
        %ge3A_128 = arith.cmpi sge, %get3A_125, %ge3A_127 : vector<16xi32>
        %add3A_129 = arith.constant 100 : i32
        %add3A_130 = vector.broadcast %add3A_129 : i32 to vector<16xi32>
        %add3A_131 = arith.addi %get3A_125, %add3A_130 : vector<16xi32>
        %jit3A_132 = arith.constant 0 : i32
        %broadcast_in_dim3A_133 = vector.broadcast %jit3A_132 : i32 to vector<16xi32>
        %select_n3A_134 = arith.select %ge3A_128, %add3A_131, %broadcast_in_dim3A_133 : vector<16xi1>, vector<16xi32>
        %gather3A_135 = tpu.vector_load_idx %arg8[%select_n3A_134] : memref<400xi32, #tpu.memory_space<vmem>>[vector<16xi32>], vector<16xi32>,
        %eq3A_136 = arith.constant -2 : i32
        %eq3A_137 = vector.broadcast %eq3A_136 : i32 to vector<16xi32>
        %eq3A_138 = arith.cmpi eq, %get3A_125, %eq3A_137 : vector<16xi32>
        %jit3A_139 = arith.constant -2 : i32
        %jit3A_140 = arith.constant -1 : i32
        %broadcast_in_dim3A_141 = vector.broadcast %jit3A_139 : i32 to vector<16xi32>
        %broadcast_in_dim3A_142 = vector.broadcast %jit3A_140 : i32 to vector<16xi32>
        %select_n3A_143 = arith.select %eq3A_138, %broadcast_in_dim3A_141, %broadcast_in_dim3A_142 : vector<16xi1>, vector<16xi32>
        %select_n3A_144 = arith.select %ge3A_128, %gather3A_135, %select_n3A_143 : vector<16xi1>, vector<16xi32>
        %mul3A_145 = arith.constant 5 : i32
        %mul3A_146 = arith.muli %mul3A_145, %scan3A_80 : i32
        %add3A_147 = arith.constant 1 : i32
        %add3A_148 = arith.addi %mul3A_146, %add3A_147 : i32
        %mul3A_149 = arith.constant 16 : i32
        %mul3A_150 = arith.muli %add3A_148, %mul3A_149 : i32
        %swap3A_151 = arith.index_cast %mul3A_150 : i32 to index
        %swap3A_152 = tpu.vector_load %arg7[%swap3A_151] {strides = array<i32>} : memref<4000xi32, #tpu.memory_space<vmem>>, vector<16xi32>,
        tpu.vector_store %arg7[%swap3A_151], %select_n3A_144 {strides = array<i32>} : memref<4000xi32, #tpu.memory_space<vmem>>, vector<16xi32>,
        %jit3A_153 = arith.constant 1 : i32
        %jit3A_154 = arith.constant 0 : i32
        %broadcast_in_dim3A_155 = vector.broadcast %jit3A_153 : i32 to vector<16xi32>
        %broadcast_in_dim3A_156 = vector.broadcast %jit3A_154 : i32 to vector<16xi32>
        %select_n3A_157 = arith.select %ge3A_128, %broadcast_in_dim3A_155, %broadcast_in_dim3A_156 : vector<16xi1>, vector<16xi32>
        %add3A_158 = arith.addi %add3A_117, %select_n3A_157 : vector<16xi32>
        %mul3A_159 = arith.constant 5 : i32
        %mul3A_160 = arith.muli %mul3A_159, %scan3A_80 : i32
        %add3A_161 = arith.constant 2 : i32
        %add3A_162 = arith.addi %mul3A_160, %add3A_161 : i32
        %mul3A_163 = arith.constant 16 : i32
        %mul3A_164 = arith.muli %add3A_162, %mul3A_163 : i32
        %get3A_165 = arith.index_cast %mul3A_164 : i32 to index
        %get3A_166 = tpu.vector_load %arg6[%get3A_165] {strides = array<i32>} : memref<4000xi32, #tpu.memory_space<vmem>>, vector<16xi32>,
        %ge3A_167 = arith.constant 0 : i32
        %ge3A_168 = vector.broadcast %ge3A_167 : i32 to vector<16xi32>
        %ge3A_169 = arith.cmpi sge, %get3A_166, %ge3A_168 : vector<16xi32>
        %add3A_170 = arith.constant 100 : i32
        %add3A_171 = vector.broadcast %add3A_170 : i32 to vector<16xi32>
        %add3A_172 = arith.addi %get3A_166, %add3A_171 : vector<16xi32>
        %jit3A_173 = arith.constant 0 : i32
        %broadcast_in_dim3A_174 = vector.broadcast %jit3A_173 : i32 to vector<16xi32>
        %select_n3A_175 = arith.select %ge3A_169, %add3A_172, %broadcast_in_dim3A_174 : vector<16xi1>, vector<16xi32>
        %gather3A_176 = tpu.vector_load_idx %arg8[%select_n3A_175] : memref<400xi32, #tpu.memory_space<vmem>>[vector<16xi32>], vector<16xi32>,
        %eq3A_177 = arith.constant -2 : i32
        %eq3A_178 = vector.broadcast %eq3A_177 : i32 to vector<16xi32>
        %eq3A_179 = arith.cmpi eq, %get3A_166, %eq3A_178 : vector<16xi32>
        %jit3A_180 = arith.constant -2 : i32
        %jit3A_181 = arith.constant -1 : i32
        %broadcast_in_dim3A_182 = vector.broadcast %jit3A_180 : i32 to vector<16xi32>
        %broadcast_in_dim3A_183 = vector.broadcast %jit3A_181 : i32 to vector<16xi32>
        %select_n3A_184 = arith.select %eq3A_179, %broadcast_in_dim3A_182, %broadcast_in_dim3A_183 : vector<16xi1>, vector<16xi32>
        %select_n3A_185 = arith.select %ge3A_169, %gather3A_176, %select_n3A_184 : vector<16xi1>, vector<16xi32>
        %mul3A_186 = arith.constant 5 : i32
        %mul3A_187 = arith.muli %mul3A_186, %scan3A_80 : i32
        %add3A_188 = arith.constant 2 : i32
        %add3A_189 = arith.addi %mul3A_187, %add3A_188 : i32
        %mul3A_190 = arith.constant 16 : i32
        %mul3A_191 = arith.muli %add3A_189, %mul3A_190 : i32
        %swap3A_192 = arith.index_cast %mul3A_191 : i32 to index
        %swap3A_193 = tpu.vector_load %arg7[%swap3A_192] {strides = array<i32>} : memref<4000xi32, #tpu.memory_space<vmem>>, vector<16xi32>,
        tpu.vector_store %arg7[%swap3A_192], %select_n3A_185 {strides = array<i32>} : memref<4000xi32, #tpu.memory_space<vmem>>, vector<16xi32>,
        %jit3A_194 = arith.constant 1 : i32
        %jit3A_195 = arith.constant 0 : i32
        %broadcast_in_dim3A_196 = vector.broadcast %jit3A_194 : i32 to vector<16xi32>
        %broadcast_in_dim3A_197 = vector.broadcast %jit3A_195 : i32 to vector<16xi32>
        %select_n3A_198 = arith.select %ge3A_169, %broadcast_in_dim3A_196, %broadcast_in_dim3A_197 : vector<16xi1>, vector<16xi32>
        %add3A_199 = arith.addi %add3A_158, %select_n3A_198 : vector<16xi32>
        %mul3A_200 = arith.constant 5 : i32
        %mul3A_201 = arith.muli %mul3A_200, %scan3A_80 : i32
        %add3A_202 = arith.constant 3 : i32
        %add3A_203 = arith.addi %mul3A_201, %add3A_202 : i32
        %mul3A_204 = arith.constant 16 : i32
        %mul3A_205 = arith.muli %add3A_203, %mul3A_204 : i32
        %get3A_206 = arith.index_cast %mul3A_205 : i32 to index
        %get3A_207 = tpu.vector_load %arg6[%get3A_206] {strides = array<i32>} : memref<4000xi32, #tpu.memory_space<vmem>>, vector<16xi32>,
        %ge3A_208 = arith.constant 0 : i32
        %ge3A_209 = vector.broadcast %ge3A_208 : i32 to vector<16xi32>
        %ge3A_210 = arith.cmpi sge, %get3A_207, %ge3A_209 : vector<16xi32>
        %add3A_211 = arith.constant 100 : i32
        %add3A_212 = vector.broadcast %add3A_211 : i32 to vector<16xi32>
        %add3A_213 = arith.addi %get3A_207, %add3A_212 : vector<16xi32>
        %jit3A_214 = arith.constant 0 : i32
        %broadcast_in_dim3A_215 = vector.broadcast %jit3A_214 : i32 to vector<16xi32>
        %select_n3A_216 = arith.select %ge3A_210, %add3A_213, %broadcast_in_dim3A_215 : vector<16xi1>, vector<16xi32>
        %gather3A_217 = tpu.vector_load_idx %arg8[%select_n3A_216] : memref<400xi32, #tpu.memory_space<vmem>>[vector<16xi32>], vector<16xi32>,
        %eq3A_218 = arith.constant -2 : i32
        %eq3A_219 = vector.broadcast %eq3A_218 : i32 to vector<16xi32>
        %eq3A_220 = arith.cmpi eq, %get3A_207, %eq3A_219 : vector<16xi32>
        %jit3A_221 = arith.constant -2 : i32
        %jit3A_222 = arith.constant -1 : i32
        %broadcast_in_dim3A_223 = vector.broadcast %jit3A_221 : i32 to vector<16xi32>
        %broadcast_in_dim3A_224 = vector.broadcast %jit3A_222 : i32 to vector<16xi32>
        %select_n3A_225 = arith.select %eq3A_220, %broadcast_in_dim3A_223, %broadcast_in_dim3A_224 : vector<16xi1>, vector<16xi32>
        %select_n3A_226 = arith.select %ge3A_210, %gather3A_217, %select_n3A_225 : vector<16xi1>, vector<16xi32>
        %mul3A_227 = arith.constant 5 : i32
        %mul3A_228 = arith.muli %mul3A_227, %scan3A_80 : i32
        %add3A_229 = arith.constant 3 : i32
        %add3A_230 = arith.addi %mul3A_228, %add3A_229 : i32
        %mul3A_231 = arith.constant 16 : i32
        %mul3A_232 = arith.muli %add3A_230, %mul3A_231 : i32
        %swap3A_233 = arith.index_cast %mul3A_232 : i32 to index
        %swap3A_234 = tpu.vector_load %arg7[%swap3A_233] {strides = array<i32>} : memref<4000xi32, #tpu.memory_space<vmem>>, vector<16xi32>,
        tpu.vector_store %arg7[%swap3A_233], %select_n3A_226 {strides = array<i32>} : memref<4000xi32, #tpu.memory_space<vmem>>, vector<16xi32>,
        %jit3A_235 = arith.constant 1 : i32
        %jit3A_236 = arith.constant 0 : i32
        %broadcast_in_dim3A_237 = vector.broadcast %jit3A_235 : i32 to vector<16xi32>
        %broadcast_in_dim3A_238 = vector.broadcast %jit3A_236 : i32 to vector<16xi32>
        %select_n3A_239 = arith.select %ge3A_210, %broadcast_in_dim3A_237, %broadcast_in_dim3A_238 : vector<16xi1>, vector<16xi32>
        %add3A_240 = arith.addi %add3A_199, %select_n3A_239 : vector<16xi32>
        %mul3A_241 = arith.constant 5 : i32
        %mul3A_242 = arith.muli %mul3A_241, %scan3A_80 : i32
        %add3A_243 = arith.constant 4 : i32
        %add3A_244 = arith.addi %mul3A_242, %add3A_243 : i32
        %mul3A_245 = arith.constant 16 : i32
        %mul3A_246 = arith.muli %add3A_244, %mul3A_245 : i32
        %get3A_247 = arith.index_cast %mul3A_246 : i32 to index
        %get3A_248 = tpu.vector_load %arg6[%get3A_247] {strides = array<i32>} : memref<4000xi32, #tpu.memory_space<vmem>>, vector<16xi32>,
        %ge3A_249 = arith.constant 0 : i32
        %ge3A_250 = vector.broadcast %ge3A_249 : i32 to vector<16xi32>
        %ge3A_251 = arith.cmpi sge, %get3A_248, %ge3A_250 : vector<16xi32>
        %add3A_252 = arith.constant 100 : i32
        %add3A_253 = vector.broadcast %add3A_252 : i32 to vector<16xi32>
        %add3A_254 = arith.addi %get3A_248, %add3A_253 : vector<16xi32>
        %jit3A_255 = arith.constant 0 : i32
        %broadcast_in_dim3A_256 = vector.broadcast %jit3A_255 : i32 to vector<16xi32>
        %select_n3A_257 = arith.select %ge3A_251, %add3A_254, %broadcast_in_dim3A_256 : vector<16xi1>, vector<16xi32>
        %gather3A_258 = tpu.vector_load_idx %arg8[%select_n3A_257] : memref<400xi32, #tpu.memory_space<vmem>>[vector<16xi32>], vector<16xi32>,
        %eq3A_259 = arith.constant -2 : i32
        %eq3A_260 = vector.broadcast %eq3A_259 : i32 to vector<16xi32>
        %eq3A_261 = arith.cmpi eq, %get3A_248, %eq3A_260 : vector<16xi32>
        %jit3A_262 = arith.constant -2 : i32
        %jit3A_263 = arith.constant -1 : i32
        %broadcast_in_dim3A_264 = vector.broadcast %jit3A_262 : i32 to vector<16xi32>
        %broadcast_in_dim3A_265 = vector.broadcast %jit3A_263 : i32 to vector<16xi32>
        %select_n3A_266 = arith.select %eq3A_261, %broadcast_in_dim3A_264, %broadcast_in_dim3A_265 : vector<16xi1>, vector<16xi32>
        %select_n3A_267 = arith.select %ge3A_251, %gather3A_258, %select_n3A_266 : vector<16xi1>, vector<16xi32>
        %mul3A_268 = arith.constant 5 : i32
        %mul3A_269 = arith.muli %mul3A_268, %scan3A_80 : i32
        %add3A_270 = arith.constant 4 : i32
        %add3A_271 = arith.addi %mul3A_269, %add3A_270 : i32
        %mul3A_272 = arith.constant 16 : i32
        %mul3A_273 = arith.muli %add3A_271, %mul3A_272 : i32
        %swap3A_274 = arith.index_cast %mul3A_273 : i32 to index
        %swap3A_275 = tpu.vector_load %arg7[%swap3A_274] {strides = array<i32>} : memref<4000xi32, #tpu.memory_space<vmem>>, vector<16xi32>,
        tpu.vector_store %arg7[%swap3A_274], %select_n3A_267 {strides = array<i32>} : memref<4000xi32, #tpu.memory_space<vmem>>, vector<16xi32>,
        %jit3A_276 = arith.constant 1 : i32
        %jit3A_277 = arith.constant 0 : i32
        %broadcast_in_dim3A_278 = vector.broadcast %jit3A_276 : i32 to vector<16xi32>
        %broadcast_in_dim3A_279 = vector.broadcast %jit3A_277 : i32 to vector<16xi32>
        %select_n3A_280 = arith.select %ge3A_251, %broadcast_in_dim3A_278, %broadcast_in_dim3A_279 : vector<16xi1>, vector<16xi32>
        %add3A_281 = arith.addi %add3A_240, %select_n3A_280 : vector<16xi32>
        scf.yield %add3A_281 : vector<16xi32>
      }
      %scan3A_37 = arith.constant 50 : i32
      %swap3A_38 = arith.constant 16 : index
      %swap3A_39 = tpu.vector_load %arg9[%swap3A_38] {strides = array<i32>} : memref<64xi32, #tpu.memory_space<vmem>>, vector<16xi32>,
      tpu.vector_store %arg9[%swap3A_38], %scan3A_36 {strides = array<i32>} : memref<64xi32, #tpu.memory_space<vmem>>, vector<16xi32>,
      %mul3A_40 = arith.constant 4000 : i32
      %mul3A_41 = arith.muli %add3A, %mul3A_40 : i32
      %add3A_42 = arith.constant 128000 : i32
      %add3A_43 = arith.addi %add3A_42, %mul3A_41 : i32
      "tpu.region"() ({
        %run_scoped3A = tpu.sem_alloc : memref<!tpu.dma_semaphore, #tpu.memory_space<semaphore_mem>>
        %dma_start3A = tpu.memref_slice %arg4[%add3A_43] : memref<512000xi32, #tpu.memory_space<hbm>> -> memref<4000xi32, #tpu.memory_space<hbm>>
        %dma_start3A_80 = tpu.memref_slice %arg4[%add3A_43] : memref<512000xi32, #tpu.memory_space<hbm>> -> memref<4000xi32, #tpu.memory_space<hbm>>
        tpu.enqueue_dma source(%arg7 : memref<4000xi32, #tpu.memory_space<vmem>>) target(%dma_start3A_80 : memref<4000xi32, #tpu.memory_space<hbm>>) target_semaphore(%run_scoped3A : memref<!tpu.dma_semaphore, #tpu.memory_space<semaphore_mem>>)
        %dma_wait3A = tpu.memref_slice %arg4[%add3A_43] : memref<512000xi32, #tpu.memory_space<hbm>> -> memref<4000xi32, #tpu.memory_space<hbm>>
        %dma_wait3A_81 = tpu.memref_slice %arg4[%add3A_43] : memref<512000xi32, #tpu.memory_space<hbm>> -> memref<4000xi32, #tpu.memory_space<hbm>>
        tpu.wait_dma2 semaphore(%run_scoped3A : memref<!tpu.dma_semaphore, #tpu.memory_space<semaphore_mem>>) src(%arg7 : memref<4000xi32, #tpu.memory_space<vmem>>) dst(%dma_wait3A_81 : memref<4000xi32, #tpu.memory_space<hbm>>)
        tpu.yield
      }) : () -> ()
      %mul3A_44 = arith.constant 4000 : i32
      %mul3A_45 = arith.muli %add3A, %mul3A_44 : i32
      %add3A_46 = arith.constant 240000 : i32
      %add3A_47 = arith.addi %add3A_46, %mul3A_45 : i32
      "tpu.region"() ({
        %run_scoped3A = tpu.sem_alloc : memref<!tpu.dma_semaphore, #tpu.memory_space<semaphore_mem>>
        %dma_start3A = tpu.memref_slice %arg2[%add3A_47] : memref<480000xi32, #tpu.memory_space<hbm>> -> memref<4000xi32, #tpu.memory_space<hbm>>
        %dma_start3A_80 = tpu.memref_slice %arg2[%add3A_47] : memref<480000xi32, #tpu.memory_space<hbm>> -> memref<4000xi32, #tpu.memory_space<hbm>>
        tpu.enqueue_dma source(%dma_start3A_80 : memref<4000xi32, #tpu.memory_space<hbm>>) target(%arg6 : memref<4000xi32, #tpu.memory_space<vmem>>) target_semaphore(%run_scoped3A : memref<!tpu.dma_semaphore, #tpu.memory_space<semaphore_mem>>)
        %dma_wait3A = tpu.memref_slice %arg2[%add3A_47] : memref<480000xi32, #tpu.memory_space<hbm>> -> memref<4000xi32, #tpu.memory_space<hbm>>
        %dma_wait3A_81 = tpu.memref_slice %arg2[%add3A_47] : memref<480000xi32, #tpu.memory_space<hbm>> -> memref<4000xi32, #tpu.memory_space<hbm>>
        tpu.wait_dma2 semaphore(%run_scoped3A : memref<!tpu.dma_semaphore, #tpu.memory_space<semaphore_mem>>) src(%dma_wait3A_81 : memref<4000xi32, #tpu.memory_space<hbm>>) dst(%arg6 : memref<4000xi32, #tpu.memory_space<vmem>>)
        tpu.yield
      }) : () -> ()
      %broadcast_in_dim3A_48 = arith.constant 0 : i32
      %broadcast_in_dim3A_49 = vector.broadcast %broadcast_in_dim3A_48 : i32 to vector<16xi32>
      %scan3A_50 = arith.constant 0 : i32
      %scan3A_51 = arith.constant 50 : i32
      %scan3A_52 = arith.addi %scan3A_50, %scan3A_51 : i32
      %scan3A_53 = arith.constant 1 : i32
      %scan3A_54 = scf.for %scan3A_80 = %scan3A_50 to %scan3A_52 step %scan3A_53 iter_args(%scan3A_81 = %broadcast_in_dim3A_49) -> (vector<16xi32>)  : i32 {
        %mul3A_82 = arith.constant 5 : i32
        %mul3A_83 = arith.muli %mul3A_82, %scan3A_80 : i32
        %add3A_84 = arith.constant 0 : i32
        %add3A_85 = arith.addi %mul3A_83, %add3A_84 : i32
        %mul3A_86 = arith.constant 16 : i32
        %mul3A_87 = arith.muli %add3A_85, %mul3A_86 : i32
        %get3A = arith.index_cast %mul3A_87 : i32 to index
        %get3A_88 = tpu.vector_load %arg6[%get3A] {strides = array<i32>} : memref<4000xi32, #tpu.memory_space<vmem>>, vector<16xi32>,
        %ge3A_89 = arith.constant 0 : i32
        %ge3A_90 = vector.broadcast %ge3A_89 : i32 to vector<16xi32>
        %ge3A_91 = arith.cmpi sge, %get3A_88, %ge3A_90 : vector<16xi32>
        %add3A_92 = arith.constant 200 : i32
        %add3A_93 = vector.broadcast %add3A_92 : i32 to vector<16xi32>
        %add3A_94 = arith.addi %get3A_88, %add3A_93 : vector<16xi32>
        %jit3A = arith.constant 0 : i32
        %broadcast_in_dim3A_95 = vector.broadcast %jit3A : i32 to vector<16xi32>
        %select_n3A = arith.select %ge3A_91, %add3A_94, %broadcast_in_dim3A_95 : vector<16xi1>, vector<16xi32>
        %gather3A = tpu.vector_load_idx %arg8[%select_n3A] : memref<400xi32, #tpu.memory_space<vmem>>[vector<16xi32>], vector<16xi32>,
        %eq3A = arith.constant -2 : i32
        %eq3A_96 = vector.broadcast %eq3A : i32 to vector<16xi32>
        %eq3A_97 = arith.cmpi eq, %get3A_88, %eq3A_96 : vector<16xi32>
        %jit3A_98 = arith.constant -2 : i32
        %jit3A_99 = arith.constant -1 : i32
        %broadcast_in_dim3A_100 = vector.broadcast %jit3A_98 : i32 to vector<16xi32>
        %broadcast_in_dim3A_101 = vector.broadcast %jit3A_99 : i32 to vector<16xi32>
        %select_n3A_102 = arith.select %eq3A_97, %broadcast_in_dim3A_100, %broadcast_in_dim3A_101 : vector<16xi1>, vector<16xi32>
        %select_n3A_103 = arith.select %ge3A_91, %gather3A, %select_n3A_102 : vector<16xi1>, vector<16xi32>
        %mul3A_104 = arith.constant 5 : i32
        %mul3A_105 = arith.muli %mul3A_104, %scan3A_80 : i32
        %add3A_106 = arith.constant 0 : i32
        %add3A_107 = arith.addi %mul3A_105, %add3A_106 : i32
        %mul3A_108 = arith.constant 16 : i32
        %mul3A_109 = arith.muli %add3A_107, %mul3A_108 : i32
        %swap3A_110 = arith.index_cast %mul3A_109 : i32 to index
        %swap3A_111 = tpu.vector_load %arg7[%swap3A_110] {strides = array<i32>} : memref<4000xi32, #tpu.memory_space<vmem>>, vector<16xi32>,
        tpu.vector_store %arg7[%swap3A_110], %select_n3A_103 {strides = array<i32>} : memref<4000xi32, #tpu.memory_space<vmem>>, vector<16xi32>,
        %jit3A_112 = arith.constant 1 : i32
        %jit3A_113 = arith.constant 0 : i32
        %broadcast_in_dim3A_114 = vector.broadcast %jit3A_112 : i32 to vector<16xi32>
        %broadcast_in_dim3A_115 = vector.broadcast %jit3A_113 : i32 to vector<16xi32>
        %select_n3A_116 = arith.select %ge3A_91, %broadcast_in_dim3A_114, %broadcast_in_dim3A_115 : vector<16xi1>, vector<16xi32>
        %add3A_117 = arith.addi %scan3A_81, %select_n3A_116 : vector<16xi32>
        %mul3A_118 = arith.constant 5 : i32
        %mul3A_119 = arith.muli %mul3A_118, %scan3A_80 : i32
        %add3A_120 = arith.constant 1 : i32
        %add3A_121 = arith.addi %mul3A_119, %add3A_120 : i32
        %mul3A_122 = arith.constant 16 : i32
        %mul3A_123 = arith.muli %add3A_121, %mul3A_122 : i32
        %get3A_124 = arith.index_cast %mul3A_123 : i32 to index
        %get3A_125 = tpu.vector_load %arg6[%get3A_124] {strides = array<i32>} : memref<4000xi32, #tpu.memory_space<vmem>>, vector<16xi32>,
        %ge3A_126 = arith.constant 0 : i32
        %ge3A_127 = vector.broadcast %ge3A_126 : i32 to vector<16xi32>
        %ge3A_128 = arith.cmpi sge, %get3A_125, %ge3A_127 : vector<16xi32>
        %add3A_129 = arith.constant 200 : i32
        %add3A_130 = vector.broadcast %add3A_129 : i32 to vector<16xi32>
        %add3A_131 = arith.addi %get3A_125, %add3A_130 : vector<16xi32>
        %jit3A_132 = arith.constant 0 : i32
        %broadcast_in_dim3A_133 = vector.broadcast %jit3A_132 : i32 to vector<16xi32>
        %select_n3A_134 = arith.select %ge3A_128, %add3A_131, %broadcast_in_dim3A_133 : vector<16xi1>, vector<16xi32>
        %gather3A_135 = tpu.vector_load_idx %arg8[%select_n3A_134] : memref<400xi32, #tpu.memory_space<vmem>>[vector<16xi32>], vector<16xi32>,
        %eq3A_136 = arith.constant -2 : i32
        %eq3A_137 = vector.broadcast %eq3A_136 : i32 to vector<16xi32>
        %eq3A_138 = arith.cmpi eq, %get3A_125, %eq3A_137 : vector<16xi32>
        %jit3A_139 = arith.constant -2 : i32
        %jit3A_140 = arith.constant -1 : i32
        %broadcast_in_dim3A_141 = vector.broadcast %jit3A_139 : i32 to vector<16xi32>
        %broadcast_in_dim3A_142 = vector.broadcast %jit3A_140 : i32 to vector<16xi32>
        %select_n3A_143 = arith.select %eq3A_138, %broadcast_in_dim3A_141, %broadcast_in_dim3A_142 : vector<16xi1>, vector<16xi32>
        %select_n3A_144 = arith.select %ge3A_128, %gather3A_135, %select_n3A_143 : vector<16xi1>, vector<16xi32>
        %mul3A_145 = arith.constant 5 : i32
        %mul3A_146 = arith.muli %mul3A_145, %scan3A_80 : i32
        %add3A_147 = arith.constant 1 : i32
        %add3A_148 = arith.addi %mul3A_146, %add3A_147 : i32
        %mul3A_149 = arith.constant 16 : i32
        %mul3A_150 = arith.muli %add3A_148, %mul3A_149 : i32
        %swap3A_151 = arith.index_cast %mul3A_150 : i32 to index
        %swap3A_152 = tpu.vector_load %arg7[%swap3A_151] {strides = array<i32>} : memref<4000xi32, #tpu.memory_space<vmem>>, vector<16xi32>,
        tpu.vector_store %arg7[%swap3A_151], %select_n3A_144 {strides = array<i32>} : memref<4000xi32, #tpu.memory_space<vmem>>, vector<16xi32>,
        %jit3A_153 = arith.constant 1 : i32
        %jit3A_154 = arith.constant 0 : i32
        %broadcast_in_dim3A_155 = vector.broadcast %jit3A_153 : i32 to vector<16xi32>
        %broadcast_in_dim3A_156 = vector.broadcast %jit3A_154 : i32 to vector<16xi32>
        %select_n3A_157 = arith.select %ge3A_128, %broadcast_in_dim3A_155, %broadcast_in_dim3A_156 : vector<16xi1>, vector<16xi32>
        %add3A_158 = arith.addi %add3A_117, %select_n3A_157 : vector<16xi32>
        %mul3A_159 = arith.constant 5 : i32
        %mul3A_160 = arith.muli %mul3A_159, %scan3A_80 : i32
        %add3A_161 = arith.constant 2 : i32
        %add3A_162 = arith.addi %mul3A_160, %add3A_161 : i32
        %mul3A_163 = arith.constant 16 : i32
        %mul3A_164 = arith.muli %add3A_162, %mul3A_163 : i32
        %get3A_165 = arith.index_cast %mul3A_164 : i32 to index
        %get3A_166 = tpu.vector_load %arg6[%get3A_165] {strides = array<i32>} : memref<4000xi32, #tpu.memory_space<vmem>>, vector<16xi32>,
        %ge3A_167 = arith.constant 0 : i32
        %ge3A_168 = vector.broadcast %ge3A_167 : i32 to vector<16xi32>
        %ge3A_169 = arith.cmpi sge, %get3A_166, %ge3A_168 : vector<16xi32>
        %add3A_170 = arith.constant 200 : i32
        %add3A_171 = vector.broadcast %add3A_170 : i32 to vector<16xi32>
        %add3A_172 = arith.addi %get3A_166, %add3A_171 : vector<16xi32>
        %jit3A_173 = arith.constant 0 : i32
        %broadcast_in_dim3A_174 = vector.broadcast %jit3A_173 : i32 to vector<16xi32>
        %select_n3A_175 = arith.select %ge3A_169, %add3A_172, %broadcast_in_dim3A_174 : vector<16xi1>, vector<16xi32>
        %gather3A_176 = tpu.vector_load_idx %arg8[%select_n3A_175] : memref<400xi32, #tpu.memory_space<vmem>>[vector<16xi32>], vector<16xi32>,
        %eq3A_177 = arith.constant -2 : i32
        %eq3A_178 = vector.broadcast %eq3A_177 : i32 to vector<16xi32>
        %eq3A_179 = arith.cmpi eq, %get3A_166, %eq3A_178 : vector<16xi32>
        %jit3A_180 = arith.constant -2 : i32
        %jit3A_181 = arith.constant -1 : i32
        %broadcast_in_dim3A_182 = vector.broadcast %jit3A_180 : i32 to vector<16xi32>
        %broadcast_in_dim3A_183 = vector.broadcast %jit3A_181 : i32 to vector<16xi32>
        %select_n3A_184 = arith.select %eq3A_179, %broadcast_in_dim3A_182, %broadcast_in_dim3A_183 : vector<16xi1>, vector<16xi32>
        %select_n3A_185 = arith.select %ge3A_169, %gather3A_176, %select_n3A_184 : vector<16xi1>, vector<16xi32>
        %mul3A_186 = arith.constant 5 : i32
        %mul3A_187 = arith.muli %mul3A_186, %scan3A_80 : i32
        %add3A_188 = arith.constant 2 : i32
        %add3A_189 = arith.addi %mul3A_187, %add3A_188 : i32
        %mul3A_190 = arith.constant 16 : i32
        %mul3A_191 = arith.muli %add3A_189, %mul3A_190 : i32
        %swap3A_192 = arith.index_cast %mul3A_191 : i32 to index
        %swap3A_193 = tpu.vector_load %arg7[%swap3A_192] {strides = array<i32>} : memref<4000xi32, #tpu.memory_space<vmem>>, vector<16xi32>,
        tpu.vector_store %arg7[%swap3A_192], %select_n3A_185 {strides = array<i32>} : memref<4000xi32, #tpu.memory_space<vmem>>, vector<16xi32>,
        %jit3A_194 = arith.constant 1 : i32
        %jit3A_195 = arith.constant 0 : i32
        %broadcast_in_dim3A_196 = vector.broadcast %jit3A_194 : i32 to vector<16xi32>
        %broadcast_in_dim3A_197 = vector.broadcast %jit3A_195 : i32 to vector<16xi32>
        %select_n3A_198 = arith.select %ge3A_169, %broadcast_in_dim3A_196, %broadcast_in_dim3A_197 : vector<16xi1>, vector<16xi32>
        %add3A_199 = arith.addi %add3A_158, %select_n3A_198 : vector<16xi32>
        %mul3A_200 = arith.constant 5 : i32
        %mul3A_201 = arith.muli %mul3A_200, %scan3A_80 : i32
        %add3A_202 = arith.constant 3 : i32
        %add3A_203 = arith.addi %mul3A_201, %add3A_202 : i32
        %mul3A_204 = arith.constant 16 : i32
        %mul3A_205 = arith.muli %add3A_203, %mul3A_204 : i32
        %get3A_206 = arith.index_cast %mul3A_205 : i32 to index
        %get3A_207 = tpu.vector_load %arg6[%get3A_206] {strides = array<i32>} : memref<4000xi32, #tpu.memory_space<vmem>>, vector<16xi32>,
        %ge3A_208 = arith.constant 0 : i32
        %ge3A_209 = vector.broadcast %ge3A_208 : i32 to vector<16xi32>
        %ge3A_210 = arith.cmpi sge, %get3A_207, %ge3A_209 : vector<16xi32>
        %add3A_211 = arith.constant 200 : i32
        %add3A_212 = vector.broadcast %add3A_211 : i32 to vector<16xi32>
        %add3A_213 = arith.addi %get3A_207, %add3A_212 : vector<16xi32>
        %jit3A_214 = arith.constant 0 : i32
        %broadcast_in_dim3A_215 = vector.broadcast %jit3A_214 : i32 to vector<16xi32>
        %select_n3A_216 = arith.select %ge3A_210, %add3A_213, %broadcast_in_dim3A_215 : vector<16xi1>, vector<16xi32>
        %gather3A_217 = tpu.vector_load_idx %arg8[%select_n3A_216] : memref<400xi32, #tpu.memory_space<vmem>>[vector<16xi32>], vector<16xi32>,
        %eq3A_218 = arith.constant -2 : i32
        %eq3A_219 = vector.broadcast %eq3A_218 : i32 to vector<16xi32>
        %eq3A_220 = arith.cmpi eq, %get3A_207, %eq3A_219 : vector<16xi32>
        %jit3A_221 = arith.constant -2 : i32
        %jit3A_222 = arith.constant -1 : i32
        %broadcast_in_dim3A_223 = vector.broadcast %jit3A_221 : i32 to vector<16xi32>
        %broadcast_in_dim3A_224 = vector.broadcast %jit3A_222 : i32 to vector<16xi32>
        %select_n3A_225 = arith.select %eq3A_220, %broadcast_in_dim3A_223, %broadcast_in_dim3A_224 : vector<16xi1>, vector<16xi32>
        %select_n3A_226 = arith.select %ge3A_210, %gather3A_217, %select_n3A_225 : vector<16xi1>, vector<16xi32>
        %mul3A_227 = arith.constant 5 : i32
        %mul3A_228 = arith.muli %mul3A_227, %scan3A_80 : i32
        %add3A_229 = arith.constant 3 : i32
        %add3A_230 = arith.addi %mul3A_228, %add3A_229 : i32
        %mul3A_231 = arith.constant 16 : i32
        %mul3A_232 = arith.muli %add3A_230, %mul3A_231 : i32
        %swap3A_233 = arith.index_cast %mul3A_232 : i32 to index
        %swap3A_234 = tpu.vector_load %arg7[%swap3A_233] {strides = array<i32>} : memref<4000xi32, #tpu.memory_space<vmem>>, vector<16xi32>,
        tpu.vector_store %arg7[%swap3A_233], %select_n3A_226 {strides = array<i32>} : memref<4000xi32, #tpu.memory_space<vmem>>, vector<16xi32>,
        %jit3A_235 = arith.constant 1 : i32
        %jit3A_236 = arith.constant 0 : i32
        %broadcast_in_dim3A_237 = vector.broadcast %jit3A_235 : i32 to vector<16xi32>
        %broadcast_in_dim3A_238 = vector.broadcast %jit3A_236 : i32 to vector<16xi32>
        %select_n3A_239 = arith.select %ge3A_210, %broadcast_in_dim3A_237, %broadcast_in_dim3A_238 : vector<16xi1>, vector<16xi32>
        %add3A_240 = arith.addi %add3A_199, %select_n3A_239 : vector<16xi32>
        %mul3A_241 = arith.constant 5 : i32
        %mul3A_242 = arith.muli %mul3A_241, %scan3A_80 : i32
        %add3A_243 = arith.constant 4 : i32
        %add3A_244 = arith.addi %mul3A_242, %add3A_243 : i32
        %mul3A_245 = arith.constant 16 : i32
        %mul3A_246 = arith.muli %add3A_244, %mul3A_245 : i32
        %get3A_247 = arith.index_cast %mul3A_246 : i32 to index
        %get3A_248 = tpu.vector_load %arg6[%get3A_247] {strides = array<i32>} : memref<4000xi32, #tpu.memory_space<vmem>>, vector<16xi32>,
        %ge3A_249 = arith.constant 0 : i32
        %ge3A_250 = vector.broadcast %ge3A_249 : i32 to vector<16xi32>
        %ge3A_251 = arith.cmpi sge, %get3A_248, %ge3A_250 : vector<16xi32>
        %add3A_252 = arith.constant 200 : i32
        %add3A_253 = vector.broadcast %add3A_252 : i32 to vector<16xi32>
        %add3A_254 = arith.addi %get3A_248, %add3A_253 : vector<16xi32>
        %jit3A_255 = arith.constant 0 : i32
        %broadcast_in_dim3A_256 = vector.broadcast %jit3A_255 : i32 to vector<16xi32>
        %select_n3A_257 = arith.select %ge3A_251, %add3A_254, %broadcast_in_dim3A_256 : vector<16xi1>, vector<16xi32>
        %gather3A_258 = tpu.vector_load_idx %arg8[%select_n3A_257] : memref<400xi32, #tpu.memory_space<vmem>>[vector<16xi32>], vector<16xi32>,
        %eq3A_259 = arith.constant -2 : i32
        %eq3A_260 = vector.broadcast %eq3A_259 : i32 to vector<16xi32>
        %eq3A_261 = arith.cmpi eq, %get3A_248, %eq3A_260 : vector<16xi32>
        %jit3A_262 = arith.constant -2 : i32
        %jit3A_263 = arith.constant -1 : i32
        %broadcast_in_dim3A_264 = vector.broadcast %jit3A_262 : i32 to vector<16xi32>
        %broadcast_in_dim3A_265 = vector.broadcast %jit3A_263 : i32 to vector<16xi32>
        %select_n3A_266 = arith.select %eq3A_261, %broadcast_in_dim3A_264, %broadcast_in_dim3A_265 : vector<16xi1>, vector<16xi32>
        %select_n3A_267 = arith.select %ge3A_251, %gather3A_258, %select_n3A_266 : vector<16xi1>, vector<16xi32>
        %mul3A_268 = arith.constant 5 : i32
        %mul3A_269 = arith.muli %mul3A_268, %scan3A_80 : i32
        %add3A_270 = arith.constant 4 : i32
        %add3A_271 = arith.addi %mul3A_269, %add3A_270 : i32
        %mul3A_272 = arith.constant 16 : i32
        %mul3A_273 = arith.muli %add3A_271, %mul3A_272 : i32
        %swap3A_274 = arith.index_cast %mul3A_273 : i32 to index
        %swap3A_275 = tpu.vector_load %arg7[%swap3A_274] {strides = array<i32>} : memref<4000xi32, #tpu.memory_space<vmem>>, vector<16xi32>,
        tpu.vector_store %arg7[%swap3A_274], %select_n3A_267 {strides = array<i32>} : memref<4000xi32, #tpu.memory_space<vmem>>, vector<16xi32>,
        %jit3A_276 = arith.constant 1 : i32
        %jit3A_277 = arith.constant 0 : i32
        %broadcast_in_dim3A_278 = vector.broadcast %jit3A_276 : i32 to vector<16xi32>
        %broadcast_in_dim3A_279 = vector.broadcast %jit3A_277 : i32 to vector<16xi32>
        %select_n3A_280 = arith.select %ge3A_251, %broadcast_in_dim3A_278, %broadcast_in_dim3A_279 : vector<16xi1>, vector<16xi32>
        %add3A_281 = arith.addi %add3A_240, %select_n3A_280 : vector<16xi32>
        scf.yield %add3A_281 : vector<16xi32>
      }
      %scan3A_55 = arith.constant 50 : i32
      %swap3A_56 = arith.constant 32 : index
      %swap3A_57 = tpu.vector_load %arg9[%swap3A_56] {strides = array<i32>} : memref<64xi32, #tpu.memory_space<vmem>>, vector<16xi32>,
      tpu.vector_store %arg9[%swap3A_56], %scan3A_54 {strides = array<i32>} : memref<64xi32, #tpu.memory_space<vmem>>, vector<16xi32>,
      %mul3A_58 = arith.constant 4000 : i32
      %mul3A_59 = arith.muli %add3A, %mul3A_58 : i32
      %add3A_60 = arith.constant 256000 : i32
      %add3A_61 = arith.addi %add3A_60, %mul3A_59 : i32
      "tpu.region"() ({
        %run_scoped3A = tpu.sem_alloc : memref<!tpu.dma_semaphore, #tpu.memory_space<semaphore_mem>>
        %dma_start3A = tpu.memref_slice %arg4[%add3A_61] : memref<512000xi32, #tpu.memory_space<hbm>> -> memref<4000xi32, #tpu.memory_space<hbm>>
        %dma_start3A_80 = tpu.memref_slice %arg4[%add3A_61] : memref<512000xi32, #tpu.memory_space<hbm>> -> memref<4000xi32, #tpu.memory_space<hbm>>
        tpu.enqueue_dma source(%arg7 : memref<4000xi32, #tpu.memory_space<vmem>>) target(%dma_start3A_80 : memref<4000xi32, #tpu.memory_space<hbm>>) target_semaphore(%run_scoped3A : memref<!tpu.dma_semaphore, #tpu.memory_space<semaphore_mem>>)
        %dma_wait3A = tpu.memref_slice %arg4[%add3A_61] : memref<512000xi32, #tpu.memory_space<hbm>> -> memref<4000xi32, #tpu.memory_space<hbm>>
        %dma_wait3A_81 = tpu.memref_slice %arg4[%add3A_61] : memref<512000xi32, #tpu.memory_space<hbm>> -> memref<4000xi32, #tpu.memory_space<hbm>>
        tpu.wait_dma2 semaphore(%run_scoped3A : memref<!tpu.dma_semaphore, #tpu.memory_space<semaphore_mem>>) src(%arg7 : memref<4000xi32, #tpu.memory_space<vmem>>) dst(%dma_wait3A_81 : memref<4000xi32, #tpu.memory_space<hbm>>)
        tpu.yield
      }) : () -> ()
      %mul3A_62 = arith.constant 4000 : i32
      %mul3A_63 = arith.muli %add3A, %mul3A_62 : i32
      %add3A_64 = arith.constant 360000 : i32
      %add3A_65 = arith.addi %add3A_64, %mul3A_63 : i32
      "tpu.region"() ({
        %run_scoped3A = tpu.sem_alloc : memref<!tpu.dma_semaphore, #tpu.memory_space<semaphore_mem>>
        %dma_start3A = tpu.memref_slice %arg2[%add3A_65] : memref<480000xi32, #tpu.memory_space<hbm>> -> memref<4000xi32, #tpu.memory_space<hbm>>
        %dma_start3A_80 = tpu.memref_slice %arg2[%add3A_65] : memref<480000xi32, #tpu.memory_space<hbm>> -> memref<4000xi32, #tpu.memory_space<hbm>>
        tpu.enqueue_dma source(%dma_start3A_80 : memref<4000xi32, #tpu.memory_space<hbm>>) target(%arg6 : memref<4000xi32, #tpu.memory_space<vmem>>) target_semaphore(%run_scoped3A : memref<!tpu.dma_semaphore, #tpu.memory_space<semaphore_mem>>)
        %dma_wait3A = tpu.memref_slice %arg2[%add3A_65] : memref<480000xi32, #tpu.memory_space<hbm>> -> memref<4000xi32, #tpu.memory_space<hbm>>
        %dma_wait3A_81 = tpu.memref_slice %arg2[%add3A_65] : memref<480000xi32, #tpu.memory_space<hbm>> -> memref<4000xi32, #tpu.memory_space<hbm>>
        tpu.wait_dma2 semaphore(%run_scoped3A : memref<!tpu.dma_semaphore, #tpu.memory_space<semaphore_mem>>) src(%dma_wait3A_81 : memref<4000xi32, #tpu.memory_space<hbm>>) dst(%arg6 : memref<4000xi32, #tpu.memory_space<vmem>>)
        tpu.yield
      }) : () -> ()
      %broadcast_in_dim3A_66 = arith.constant 0 : i32
      %broadcast_in_dim3A_67 = vector.broadcast %broadcast_in_dim3A_66 : i32 to vector<16xi32>
      %scan3A_68 = arith.constant 0 : i32
      %scan3A_69 = arith.constant 50 : i32
      %scan3A_70 = arith.addi %scan3A_68, %scan3A_69 : i32
      %scan3A_71 = arith.constant 1 : i32
      %scan3A_72 = scf.for %scan3A_80 = %scan3A_68 to %scan3A_70 step %scan3A_71 iter_args(%scan3A_81 = %broadcast_in_dim3A_67) -> (vector<16xi32>)  : i32 {
        %mul3A_82 = arith.constant 5 : i32
        %mul3A_83 = arith.muli %mul3A_82, %scan3A_80 : i32
        %add3A_84 = arith.constant 0 : i32
        %add3A_85 = arith.addi %mul3A_83, %add3A_84 : i32
        %mul3A_86 = arith.constant 16 : i32
        %mul3A_87 = arith.muli %add3A_85, %mul3A_86 : i32
        %get3A = arith.index_cast %mul3A_87 : i32 to index
        %get3A_88 = tpu.vector_load %arg6[%get3A] {strides = array<i32>} : memref<4000xi32, #tpu.memory_space<vmem>>, vector<16xi32>,
        %ge3A_89 = arith.constant 0 : i32
        %ge3A_90 = vector.broadcast %ge3A_89 : i32 to vector<16xi32>
        %ge3A_91 = arith.cmpi sge, %get3A_88, %ge3A_90 : vector<16xi32>
        %add3A_92 = arith.constant 300 : i32
        %add3A_93 = vector.broadcast %add3A_92 : i32 to vector<16xi32>
        %add3A_94 = arith.addi %get3A_88, %add3A_93 : vector<16xi32>
        %jit3A = arith.constant 0 : i32
        %broadcast_in_dim3A_95 = vector.broadcast %jit3A : i32 to vector<16xi32>
        %select_n3A = arith.select %ge3A_91, %add3A_94, %broadcast_in_dim3A_95 : vector<16xi1>, vector<16xi32>
        %gather3A = tpu.vector_load_idx %arg8[%select_n3A] : memref<400xi32, #tpu.memory_space<vmem>>[vector<16xi32>], vector<16xi32>,
        %eq3A = arith.constant -2 : i32
        %eq3A_96 = vector.broadcast %eq3A : i32 to vector<16xi32>
        %eq3A_97 = arith.cmpi eq, %get3A_88, %eq3A_96 : vector<16xi32>
        %jit3A_98 = arith.constant -2 : i32
        %jit3A_99 = arith.constant -1 : i32
        %broadcast_in_dim3A_100 = vector.broadcast %jit3A_98 : i32 to vector<16xi32>
        %broadcast_in_dim3A_101 = vector.broadcast %jit3A_99 : i32 to vector<16xi32>
        %select_n3A_102 = arith.select %eq3A_97, %broadcast_in_dim3A_100, %broadcast_in_dim3A_101 : vector<16xi1>, vector<16xi32>
        %select_n3A_103 = arith.select %ge3A_91, %gather3A, %select_n3A_102 : vector<16xi1>, vector<16xi32>
        %mul3A_104 = arith.constant 5 : i32
        %mul3A_105 = arith.muli %mul3A_104, %scan3A_80 : i32
        %add3A_106 = arith.constant 0 : i32
        %add3A_107 = arith.addi %mul3A_105, %add3A_106 : i32
        %mul3A_108 = arith.constant 16 : i32
        %mul3A_109 = arith.muli %add3A_107, %mul3A_108 : i32
        %swap3A_110 = arith.index_cast %mul3A_109 : i32 to index
        %swap3A_111 = tpu.vector_load %arg7[%swap3A_110] {strides = array<i32>} : memref<4000xi32, #tpu.memory_space<vmem>>, vector<16xi32>,
        tpu.vector_store %arg7[%swap3A_110], %select_n3A_103 {strides = array<i32>} : memref<4000xi32, #tpu.memory_space<vmem>>, vector<16xi32>,
        %jit3A_112 = arith.constant 1 : i32
        %jit3A_113 = arith.constant 0 : i32
        %broadcast_in_dim3A_114 = vector.broadcast %jit3A_112 : i32 to vector<16xi32>
        %broadcast_in_dim3A_115 = vector.broadcast %jit3A_113 : i32 to vector<16xi32>
        %select_n3A_116 = arith.select %ge3A_91, %broadcast_in_dim3A_114, %broadcast_in_dim3A_115 : vector<16xi1>, vector<16xi32>
        %add3A_117 = arith.addi %scan3A_81, %select_n3A_116 : vector<16xi32>
        %mul3A_118 = arith.constant 5 : i32
        %mul3A_119 = arith.muli %mul3A_118, %scan3A_80 : i32
        %add3A_120 = arith.constant 1 : i32
        %add3A_121 = arith.addi %mul3A_119, %add3A_120 : i32
        %mul3A_122 = arith.constant 16 : i32
        %mul3A_123 = arith.muli %add3A_121, %mul3A_122 : i32
        %get3A_124 = arith.index_cast %mul3A_123 : i32 to index
        %get3A_125 = tpu.vector_load %arg6[%get3A_124] {strides = array<i32>} : memref<4000xi32, #tpu.memory_space<vmem>>, vector<16xi32>,
        %ge3A_126 = arith.constant 0 : i32
        %ge3A_127 = vector.broadcast %ge3A_126 : i32 to vector<16xi32>
        %ge3A_128 = arith.cmpi sge, %get3A_125, %ge3A_127 : vector<16xi32>
        %add3A_129 = arith.constant 300 : i32
        %add3A_130 = vector.broadcast %add3A_129 : i32 to vector<16xi32>
        %add3A_131 = arith.addi %get3A_125, %add3A_130 : vector<16xi32>
        %jit3A_132 = arith.constant 0 : i32
        %broadcast_in_dim3A_133 = vector.broadcast %jit3A_132 : i32 to vector<16xi32>
        %select_n3A_134 = arith.select %ge3A_128, %add3A_131, %broadcast_in_dim3A_133 : vector<16xi1>, vector<16xi32>
        %gather3A_135 = tpu.vector_load_idx %arg8[%select_n3A_134] : memref<400xi32, #tpu.memory_space<vmem>>[vector<16xi32>], vector<16xi32>,
        %eq3A_136 = arith.constant -2 : i32
        %eq3A_137 = vector.broadcast %eq3A_136 : i32 to vector<16xi32>
        %eq3A_138 = arith.cmpi eq, %get3A_125, %eq3A_137 : vector<16xi32>
        %jit3A_139 = arith.constant -2 : i32
        %jit3A_140 = arith.constant -1 : i32
        %broadcast_in_dim3A_141 = vector.broadcast %jit3A_139 : i32 to vector<16xi32>
        %broadcast_in_dim3A_142 = vector.broadcast %jit3A_140 : i32 to vector<16xi32>
        %select_n3A_143 = arith.select %eq3A_138, %broadcast_in_dim3A_141, %broadcast_in_dim3A_142 : vector<16xi1>, vector<16xi32>
        %select_n3A_144 = arith.select %ge3A_128, %gather3A_135, %select_n3A_143 : vector<16xi1>, vector<16xi32>
        %mul3A_145 = arith.constant 5 : i32
        %mul3A_146 = arith.muli %mul3A_145, %scan3A_80 : i32
        %add3A_147 = arith.constant 1 : i32
        %add3A_148 = arith.addi %mul3A_146, %add3A_147 : i32
        %mul3A_149 = arith.constant 16 : i32
        %mul3A_150 = arith.muli %add3A_148, %mul3A_149 : i32
        %swap3A_151 = arith.index_cast %mul3A_150 : i32 to index
        %swap3A_152 = tpu.vector_load %arg7[%swap3A_151] {strides = array<i32>} : memref<4000xi32, #tpu.memory_space<vmem>>, vector<16xi32>,
        tpu.vector_store %arg7[%swap3A_151], %select_n3A_144 {strides = array<i32>} : memref<4000xi32, #tpu.memory_space<vmem>>, vector<16xi32>,
        %jit3A_153 = arith.constant 1 : i32
        %jit3A_154 = arith.constant 0 : i32
        %broadcast_in_dim3A_155 = vector.broadcast %jit3A_153 : i32 to vector<16xi32>
        %broadcast_in_dim3A_156 = vector.broadcast %jit3A_154 : i32 to vector<16xi32>
        %select_n3A_157 = arith.select %ge3A_128, %broadcast_in_dim3A_155, %broadcast_in_dim3A_156 : vector<16xi1>, vector<16xi32>
        %add3A_158 = arith.addi %add3A_117, %select_n3A_157 : vector<16xi32>
        %mul3A_159 = arith.constant 5 : i32
        %mul3A_160 = arith.muli %mul3A_159, %scan3A_80 : i32
        %add3A_161 = arith.constant 2 : i32
        %add3A_162 = arith.addi %mul3A_160, %add3A_161 : i32
        %mul3A_163 = arith.constant 16 : i32
        %mul3A_164 = arith.muli %add3A_162, %mul3A_163 : i32
        %get3A_165 = arith.index_cast %mul3A_164 : i32 to index
        %get3A_166 = tpu.vector_load %arg6[%get3A_165] {strides = array<i32>} : memref<4000xi32, #tpu.memory_space<vmem>>, vector<16xi32>,
        %ge3A_167 = arith.constant 0 : i32
        %ge3A_168 = vector.broadcast %ge3A_167 : i32 to vector<16xi32>
        %ge3A_169 = arith.cmpi sge, %get3A_166, %ge3A_168 : vector<16xi32>
        %add3A_170 = arith.constant 300 : i32
        %add3A_171 = vector.broadcast %add3A_170 : i32 to vector<16xi32>
        %add3A_172 = arith.addi %get3A_166, %add3A_171 : vector<16xi32>
        %jit3A_173 = arith.constant 0 : i32
        %broadcast_in_dim3A_174 = vector.broadcast %jit3A_173 : i32 to vector<16xi32>
        %select_n3A_175 = arith.select %ge3A_169, %add3A_172, %broadcast_in_dim3A_174 : vector<16xi1>, vector<16xi32>
        %gather3A_176 = tpu.vector_load_idx %arg8[%select_n3A_175] : memref<400xi32, #tpu.memory_space<vmem>>[vector<16xi32>], vector<16xi32>,
        %eq3A_177 = arith.constant -2 : i32
        %eq3A_178 = vector.broadcast %eq3A_177 : i32 to vector<16xi32>
        %eq3A_179 = arith.cmpi eq, %get3A_166, %eq3A_178 : vector<16xi32>
        %jit3A_180 = arith.constant -2 : i32
        %jit3A_181 = arith.constant -1 : i32
        %broadcast_in_dim3A_182 = vector.broadcast %jit3A_180 : i32 to vector<16xi32>
        %broadcast_in_dim3A_183 = vector.broadcast %jit3A_181 : i32 to vector<16xi32>
        %select_n3A_184 = arith.select %eq3A_179, %broadcast_in_dim3A_182, %broadcast_in_dim3A_183 : vector<16xi1>, vector<16xi32>
        %select_n3A_185 = arith.select %ge3A_169, %gather3A_176, %select_n3A_184 : vector<16xi1>, vector<16xi32>
        %mul3A_186 = arith.constant 5 : i32
        %mul3A_187 = arith.muli %mul3A_186, %scan3A_80 : i32
        %add3A_188 = arith.constant 2 : i32
        %add3A_189 = arith.addi %mul3A_187, %add3A_188 : i32
        %mul3A_190 = arith.constant 16 : i32
        %mul3A_191 = arith.muli %add3A_189, %mul3A_190 : i32
        %swap3A_192 = arith.index_cast %mul3A_191 : i32 to index
        %swap3A_193 = tpu.vector_load %arg7[%swap3A_192] {strides = array<i32>} : memref<4000xi32, #tpu.memory_space<vmem>>, vector<16xi32>,
        tpu.vector_store %arg7[%swap3A_192], %select_n3A_185 {strides = array<i32>} : memref<4000xi32, #tpu.memory_space<vmem>>, vector<16xi32>,
        %jit3A_194 = arith.constant 1 : i32
        %jit3A_195 = arith.constant 0 : i32
        %broadcast_in_dim3A_196 = vector.broadcast %jit3A_194 : i32 to vector<16xi32>
        %broadcast_in_dim3A_197 = vector.broadcast %jit3A_195 : i32 to vector<16xi32>
        %select_n3A_198 = arith.select %ge3A_169, %broadcast_in_dim3A_196, %broadcast_in_dim3A_197 : vector<16xi1>, vector<16xi32>
        %add3A_199 = arith.addi %add3A_158, %select_n3A_198 : vector<16xi32>
        %mul3A_200 = arith.constant 5 : i32
        %mul3A_201 = arith.muli %mul3A_200, %scan3A_80 : i32
        %add3A_202 = arith.constant 3 : i32
        %add3A_203 = arith.addi %mul3A_201, %add3A_202 : i32
        %mul3A_204 = arith.constant 16 : i32
        %mul3A_205 = arith.muli %add3A_203, %mul3A_204 : i32
        %get3A_206 = arith.index_cast %mul3A_205 : i32 to index
        %get3A_207 = tpu.vector_load %arg6[%get3A_206] {strides = array<i32>} : memref<4000xi32, #tpu.memory_space<vmem>>, vector<16xi32>,
        %ge3A_208 = arith.constant 0 : i32
        %ge3A_209 = vector.broadcast %ge3A_208 : i32 to vector<16xi32>
        %ge3A_210 = arith.cmpi sge, %get3A_207, %ge3A_209 : vector<16xi32>
        %add3A_211 = arith.constant 300 : i32
        %add3A_212 = vector.broadcast %add3A_211 : i32 to vector<16xi32>
        %add3A_213 = arith.addi %get3A_207, %add3A_212 : vector<16xi32>
        %jit3A_214 = arith.constant 0 : i32
        %broadcast_in_dim3A_215 = vector.broadcast %jit3A_214 : i32 to vector<16xi32>
        %select_n3A_216 = arith.select %ge3A_210, %add3A_213, %broadcast_in_dim3A_215 : vector<16xi1>, vector<16xi32>
        %gather3A_217 = tpu.vector_load_idx %arg8[%select_n3A_216] : memref<400xi32, #tpu.memory_space<vmem>>[vector<16xi32>], vector<16xi32>,
        %eq3A_218 = arith.constant -2 : i32
        %eq3A_219 = vector.broadcast %eq3A_218 : i32 to vector<16xi32>
        %eq3A_220 = arith.cmpi eq, %get3A_207, %eq3A_219 : vector<16xi32>
        %jit3A_221 = arith.constant -2 : i32
        %jit3A_222 = arith.constant -1 : i32
        %broadcast_in_dim3A_223 = vector.broadcast %jit3A_221 : i32 to vector<16xi32>
        %broadcast_in_dim3A_224 = vector.broadcast %jit3A_222 : i32 to vector<16xi32>
        %select_n3A_225 = arith.select %eq3A_220, %broadcast_in_dim3A_223, %broadcast_in_dim3A_224 : vector<16xi1>, vector<16xi32>
        %select_n3A_226 = arith.select %ge3A_210, %gather3A_217, %select_n3A_225 : vector<16xi1>, vector<16xi32>
        %mul3A_227 = arith.constant 5 : i32
        %mul3A_228 = arith.muli %mul3A_227, %scan3A_80 : i32
        %add3A_229 = arith.constant 3 : i32
        %add3A_230 = arith.addi %mul3A_228, %add3A_229 : i32
        %mul3A_231 = arith.constant 16 : i32
        %mul3A_232 = arith.muli %add3A_230, %mul3A_231 : i32
        %swap3A_233 = arith.index_cast %mul3A_232 : i32 to index
        %swap3A_234 = tpu.vector_load %arg7[%swap3A_233] {strides = array<i32>} : memref<4000xi32, #tpu.memory_space<vmem>>, vector<16xi32>,
        tpu.vector_store %arg7[%swap3A_233], %select_n3A_226 {strides = array<i32>} : memref<4000xi32, #tpu.memory_space<vmem>>, vector<16xi32>,
        %jit3A_235 = arith.constant 1 : i32
        %jit3A_236 = arith.constant 0 : i32
        %broadcast_in_dim3A_237 = vector.broadcast %jit3A_235 : i32 to vector<16xi32>
        %broadcast_in_dim3A_238 = vector.broadcast %jit3A_236 : i32 to vector<16xi32>
        %select_n3A_239 = arith.select %ge3A_210, %broadcast_in_dim3A_237, %broadcast_in_dim3A_238 : vector<16xi1>, vector<16xi32>
        %add3A_240 = arith.addi %add3A_199, %select_n3A_239 : vector<16xi32>
        %mul3A_241 = arith.constant 5 : i32
        %mul3A_242 = arith.muli %mul3A_241, %scan3A_80 : i32
        %add3A_243 = arith.constant 4 : i32
        %add3A_244 = arith.addi %mul3A_242, %add3A_243 : i32
        %mul3A_245 = arith.constant 16 : i32
        %mul3A_246 = arith.muli %add3A_244, %mul3A_245 : i32
        %get3A_247 = arith.index_cast %mul3A_246 : i32 to index
        %get3A_248 = tpu.vector_load %arg6[%get3A_247] {strides = array<i32>} : memref<4000xi32, #tpu.memory_space<vmem>>, vector<16xi32>,
        %ge3A_249 = arith.constant 0 : i32
        %ge3A_250 = vector.broadcast %ge3A_249 : i32 to vector<16xi32>
        %ge3A_251 = arith.cmpi sge, %get3A_248, %ge3A_250 : vector<16xi32>
        %add3A_252 = arith.constant 300 : i32
        %add3A_253 = vector.broadcast %add3A_252 : i32 to vector<16xi32>
        %add3A_254 = arith.addi %get3A_248, %add3A_253 : vector<16xi32>
        %jit3A_255 = arith.constant 0 : i32
        %broadcast_in_dim3A_256 = vector.broadcast %jit3A_255 : i32 to vector<16xi32>
        %select_n3A_257 = arith.select %ge3A_251, %add3A_254, %broadcast_in_dim3A_256 : vector<16xi1>, vector<16xi32>
        %gather3A_258 = tpu.vector_load_idx %arg8[%select_n3A_257] : memref<400xi32, #tpu.memory_space<vmem>>[vector<16xi32>], vector<16xi32>,
        %eq3A_259 = arith.constant -2 : i32
        %eq3A_260 = vector.broadcast %eq3A_259 : i32 to vector<16xi32>
        %eq3A_261 = arith.cmpi eq, %get3A_248, %eq3A_260 : vector<16xi32>
        %jit3A_262 = arith.constant -2 : i32
        %jit3A_263 = arith.constant -1 : i32
        %broadcast_in_dim3A_264 = vector.broadcast %jit3A_262 : i32 to vector<16xi32>
        %broadcast_in_dim3A_265 = vector.broadcast %jit3A_263 : i32 to vector<16xi32>
        %select_n3A_266 = arith.select %eq3A_261, %broadcast_in_dim3A_264, %broadcast_in_dim3A_265 : vector<16xi1>, vector<16xi32>
        %select_n3A_267 = arith.select %ge3A_251, %gather3A_258, %select_n3A_266 : vector<16xi1>, vector<16xi32>
        %mul3A_268 = arith.constant 5 : i32
        %mul3A_269 = arith.muli %mul3A_268, %scan3A_80 : i32
        %add3A_270 = arith.constant 4 : i32
        %add3A_271 = arith.addi %mul3A_269, %add3A_270 : i32
        %mul3A_272 = arith.constant 16 : i32
        %mul3A_273 = arith.muli %add3A_271, %mul3A_272 : i32
        %swap3A_274 = arith.index_cast %mul3A_273 : i32 to index
        %swap3A_275 = tpu.vector_load %arg7[%swap3A_274] {strides = array<i32>} : memref<4000xi32, #tpu.memory_space<vmem>>, vector<16xi32>,
        tpu.vector_store %arg7[%swap3A_274], %select_n3A_267 {strides = array<i32>} : memref<4000xi32, #tpu.memory_space<vmem>>, vector<16xi32>,
        %jit3A_276 = arith.constant 1 : i32
        %jit3A_277 = arith.constant 0 : i32
        %broadcast_in_dim3A_278 = vector.broadcast %jit3A_276 : i32 to vector<16xi32>
        %broadcast_in_dim3A_279 = vector.broadcast %jit3A_277 : i32 to vector<16xi32>
        %select_n3A_280 = arith.select %ge3A_251, %broadcast_in_dim3A_278, %broadcast_in_dim3A_279 : vector<16xi1>, vector<16xi32>
        %add3A_281 = arith.addi %add3A_240, %select_n3A_280 : vector<16xi32>
        scf.yield %add3A_281 : vector<16xi32>
      }
      %scan3A_73 = arith.constant 50 : i32
      %swap3A_74 = arith.constant 48 : index
      %swap3A_75 = tpu.vector_load %arg9[%swap3A_74] {strides = array<i32>} : memref<64xi32, #tpu.memory_space<vmem>>, vector<16xi32>,
      tpu.vector_store %arg9[%swap3A_74], %scan3A_72 {strides = array<i32>} : memref<64xi32, #tpu.memory_space<vmem>>, vector<16xi32>,
      %mul3A_76 = arith.constant 4000 : i32
      %mul3A_77 = arith.muli %add3A, %mul3A_76 : i32
      %add3A_78 = arith.constant 384000 : i32
      %add3A_79 = arith.addi %add3A_78, %mul3A_77 : i32
      "tpu.region"() ({
        %run_scoped3A = tpu.sem_alloc : memref<!tpu.dma_semaphore, #tpu.memory_space<semaphore_mem>>
        %dma_start3A = tpu.memref_slice %arg4[%add3A_79] : memref<512000xi32, #tpu.memory_space<hbm>> -> memref<4000xi32, #tpu.memory_space<hbm>>
        %dma_start3A_80 = tpu.memref_slice %arg4[%add3A_79] : memref<512000xi32, #tpu.memory_space<hbm>> -> memref<4000xi32, #tpu.memory_space<hbm>>
        tpu.enqueue_dma source(%arg7 : memref<4000xi32, #tpu.memory_space<vmem>>) target(%dma_start3A_80 : memref<4000xi32, #tpu.memory_space<hbm>>) target_semaphore(%run_scoped3A : memref<!tpu.dma_semaphore, #tpu.memory_space<semaphore_mem>>)
        %dma_wait3A = tpu.memref_slice %arg4[%add3A_79] : memref<512000xi32, #tpu.memory_space<hbm>> -> memref<4000xi32, #tpu.memory_space<hbm>>
        %dma_wait3A_81 = tpu.memref_slice %arg4[%add3A_79] : memref<512000xi32, #tpu.memory_space<hbm>> -> memref<4000xi32, #tpu.memory_space<hbm>>
        tpu.wait_dma2 semaphore(%run_scoped3A : memref<!tpu.dma_semaphore, #tpu.memory_space<semaphore_mem>>) src(%arg7 : memref<4000xi32, #tpu.memory_space<vmem>>) dst(%dma_wait3A_81 : memref<4000xi32, #tpu.memory_space<hbm>>)
        tpu.yield
      }) : () -> ()
    } else {
    }
    %ge3A = arith.constant 30 : i32
    %ge3A_3 = arith.cmpi sge, %add3A, %ge3A : i32
    %convert_element_type3A_4 = arith.extui %ge3A_3 : i1 to i32
    %cond3A_5 = arith.constant 0 : i32
    %cond3A_6 = arith.cmpi ne, %convert_element_type3A_4, %cond3A_5 : i32
    scf.if %cond3A_6 {
      %scan3A = arith.constant 0 : i32
      %scan3A_11 = arith.constant 0 : i32
      %scan3A_12 = arith.constant 4 : i32
      %scan3A_13 = arith.addi %scan3A_11, %scan3A_12 : i32
      %scan3A_14 = arith.constant 1 : i32
      scf.for %scan3A_16 = %scan3A_11 to %scan3A_13 step %scan3A_14  : i32 {
        %broadcast_in_dim3A = arith.constant 0 : i32
        %broadcast_in_dim3A_17 = vector.broadcast %broadcast_in_dim3A : i32 to vector<16xi32>
        %mul3A_18 = arith.constant 16 : i32
        %mul3A_19 = arith.muli %scan3A_16, %mul3A_18 : i32
        %swap3A = arith.index_cast %mul3A_19 : i32 to index
        %swap3A_20 = tpu.vector_load %arg9[%swap3A] {strides = array<i32>} : memref<64xi32, #tpu.memory_space<vmem>>, vector<16xi32>,
        tpu.vector_store %arg9[%swap3A], %broadcast_in_dim3A_17 {strides = array<i32>} : memref<64xi32, #tpu.memory_space<vmem>>, vector<16xi32>,
      }
      %scan3A_15 = arith.constant 4 : i32
    } else {
    }
    %mul3A_7 = arith.constant 4 : i32
    %mul3A_8 = arith.muli %add3A, %mul3A_7 : i32
    %mul3A_9 = arith.constant 16 : i32
    %mul3A_10 = arith.muli %mul3A_8, %mul3A_9 : i32
    "tpu.region"() ({
      %run_scoped3A = tpu.sem_alloc : memref<!tpu.dma_semaphore, #tpu.memory_space<semaphore_mem>>
      %dma_start3A = tpu.memref_slice %arg5[%mul3A_10] : memref<2048xi32, #tpu.memory_space<hbm>> -> memref<64xi32, #tpu.memory_space<hbm>>
      %dma_start3A_11 = tpu.memref_slice %arg5[%mul3A_10] : memref<2048xi32, #tpu.memory_space<hbm>> -> memref<64xi32, #tpu.memory_space<hbm>>
      tpu.enqueue_dma source(%arg9 : memref<64xi32, #tpu.memory_space<vmem>>) target(%dma_start3A_11 : memref<64xi32, #tpu.memory_space<hbm>>) target_semaphore(%run_scoped3A : memref<!tpu.dma_semaphore, #tpu.memory_space<semaphore_mem>>)
      %dma_wait3A = tpu.memref_slice %arg5[%mul3A_10] : memref<2048xi32, #tpu.memory_space<hbm>> -> memref<64xi32, #tpu.memory_space<hbm>>
      %dma_wait3A_12 = tpu.memref_slice %arg5[%mul3A_10] : memref<2048xi32, #tpu.memory_space<hbm>> -> memref<64xi32, #tpu.memory_space<hbm>>
      tpu.wait_dma2 semaphore(%run_scoped3A : memref<!tpu.dma_semaphore, #tpu.memory_space<semaphore_mem>>) src(%arg9 : memref<64xi32, #tpu.memory_space<vmem>>) dst(%dma_wait3A_12 : memref<64xi32, #tpu.memory_space<hbm>>)
      tpu.yield
    }) : () -> ()
    return
  }
}

module attributes {stable_mosaic.version = 14 : i64} {
  func.func @_tc_body(%arg0: i32, %arg1: i32, %arg2: memref<1x24000x80xf32, #tpu.memory_space<vmem>>, %arg3: memref<1x3x1x8000xi32, #tpu.memory_space<vmem>>, %arg4: memref<1x1x1xf32, #tpu.memory_space<vmem>>) attributes {dimension_semantics = [#tpu.dimension_semantics<arbitrary>, #tpu.dimension_semantics<arbitrary>], iteration_bounds = array<i64: 4, 5>, scalar_prefetch = 0 : i64, scratch_operands = 0 : i64, tpu.core_type = #tpu.core_type<tc>, window_params = [{transform_indices = @transform_0, window_bounds = array<i64: 1, 24000, 80>}, {transform_indices = @transform_1, window_bounds = array<i64: 1, 3, 1, 8000>}, {transform_indices = @transform_2, window_bounds = array<i64: 1, 1, 1>}]} {
    %get3A = arith.constant 0 : index
    %get3A_0 = arith.constant 0 : index
    %get3A_1 = arith.constant 0 : index
    %get3A_2 = vector.load %arg2[%get3A, %get3A_0, %get3A_1] : memref<1x24000x80xf32, #tpu.memory_space<vmem>>, vector<1x8000x80xf32>
    %get3A_3 = vector.shape_cast %get3A_2 : vector<1x8000x80xf32> to vector<8000x80xf32>
    %get3A_4 = arith.constant 0 : index
    %get3A_5 = arith.constant 0 : index
    %get3A_6 = arith.constant 0 : index
    %get3A_7 = arith.constant 0 : index
    %get3A_8 = vector.load %arg3[%get3A_4, %get3A_5, %get3A_6, %get3A_7] : memref<1x3x1x8000xi32, #tpu.memory_space<vmem>>, vector<1x1x1x8000xi32>
    %get3A_9 = vector.shape_cast %get3A_8 : vector<1x1x1x8000xi32> to vector<8000xi32>
    %reshape3A = vector.shape_cast %get3A_9 : vector<8000xi32> to vector<8000x1xi32>
    %iota3A = tpu.iota {dimensions = array<i32: 1>} : vector<8000x80xi32>
    %eq3A = vector.broadcast %reshape3A : vector<8000x1xi32> to vector<8000x80xi32>
    %eq3A_10 = arith.cmpi eq, %iota3A, %eq3A : vector<8000x80xi32>
    %neg3A = arith.constant 0.000000e+00 : f32
    %neg3A_11 = vector.broadcast %neg3A : f32 to vector<8000x80xf32>
    %neg3A_12 = arith.subf %neg3A_11, %get3A_3 : vector<8000x80xf32>
    %select_n3A = arith.select %eq3A_10, %neg3A_12, %get3A_3 : vector<8000x80xi1>, vector<8000x80xf32>
    %mul3A = arith.constant 1.44269502 : f32
    %mul3A_13 = vector.broadcast %mul3A : f32 to vector<8000x80xf32>
    %mul3A_14 = arith.mulf %select_n3A, %mul3A_13 : vector<8000x80xf32>
    %exp23A = math.exp2 %mul3A_14 : vector<8000x80xf32>
    %add3A = arith.constant 1.000000e+00 : f32
    %add3A_15 = vector.broadcast %add3A : f32 to vector<8000x80xf32>
    %add3A_16 = arith.addf %add3A_15, %exp23A : vector<8000x80xf32>
    %log3A = math.log %add3A_16 : vector<8000x80xf32>
    %log3A_17 = arith.constant 2.000000e+00 : f32
    %log3A_18 = math.log %log3A_17 : f32
    %div3A = vector.broadcast %log3A_18 : f32 to vector<8000x80xf32>
    %div3A_19 = arith.divf %log3A, %div3A : vector<8000x80xf32>
    %div3A_20 = arith.constant 1.000000e+00 : f32
    %div3A_21 = vector.broadcast %div3A_20 : f32 to vector<8000x80xf32>
    %div3A_22 = arith.divf %div3A_21, %add3A_16 : vector<8000x80xf32>
    %mul3A_23 = arith.mulf %exp23A, %div3A_22 : vector<8000x80xf32>
    %jit3A = arith.constant 0.173286796 : f32
    %jit3A_24 = arith.constant 0.519860387 : f32
    %broadcast_in_dim3A = vector.broadcast %jit3A : f32 to vector<8000x80xf32>
    %broadcast_in_dim3A_25 = vector.broadcast %jit3A_24 : f32 to vector<8000x80xf32>
    %select_n3A_26 = arith.select %eq3A_10, %broadcast_in_dim3A, %broadcast_in_dim3A_25 : vector<8000x80xi1>, vector<8000x80xf32>
    %mul3A_27 = arith.mulf %select_n3A_26, %div3A_19 : vector<8000x80xf32>
    %mul3A_28 = arith.mulf %mul3A_23, %mul3A_23 : vector<8000x80xf32>
    %mul3A_29 = arith.mulf %mul3A_27, %mul3A_28 : vector<8000x80xf32>
    %reduce_sum3A = vector.shape_cast %mul3A_29 : vector<8000x80xf32> to vector<1x8000x80xf32>
    %reduce_sum3A_30 = arith.constant dense<0.000000e+00> : vector<1xf32>
    %reduce_sum3A_31 = vector.multi_reduction <add>, %reduce_sum3A, %reduce_sum3A_30 [1, 2] : vector<1x8000x80xf32> to vector<1xf32>
    %reduce_sum3A_32 = vector.shape_cast %reduce_sum3A_31 : vector<1xf32> to vector<1x1x1xf32>
    %reduce_sum3A_33 = vector.extract %reduce_sum3A_32[0, 0, 0] : f32 from vector<1x1x1xf32>
    %add3A_34 = arith.constant 0.000000e+00 : f32
    %add3A_35 = arith.addf %add3A_34, %reduce_sum3A_33 : f32
    %get3A_36 = arith.constant 0 : index
    %get3A_37 = arith.constant 8000 : index
    %get3A_38 = arith.constant 0 : index
    %get3A_39 = vector.load %arg2[%get3A_36, %get3A_37, %get3A_38] : memref<1x24000x80xf32, #tpu.memory_space<vmem>>, vector<1x8000x80xf32>
    %get3A_40 = vector.shape_cast %get3A_39 : vector<1x8000x80xf32> to vector<8000x80xf32>
    %get3A_41 = arith.constant 0 : index
    %get3A_42 = arith.constant 1 : index
    %get3A_43 = arith.constant 0 : index
    %get3A_44 = arith.constant 0 : index
    %get3A_45 = vector.load %arg3[%get3A_41, %get3A_42, %get3A_43, %get3A_44] : memref<1x3x1x8000xi32, #tpu.memory_space<vmem>>, vector<1x1x1x8000xi32>
    %get3A_46 = vector.shape_cast %get3A_45 : vector<1x1x1x8000xi32> to vector<8000xi32>
    %reshape3A_47 = vector.shape_cast %get3A_46 : vector<8000xi32> to vector<8000x1xi32>
    %iota3A_48 = tpu.iota {dimensions = array<i32: 1>} : vector<8000x80xi32>
    %eq3A_49 = vector.broadcast %reshape3A_47 : vector<8000x1xi32> to vector<8000x80xi32>
    %eq3A_50 = arith.cmpi eq, %iota3A_48, %eq3A_49 : vector<8000x80xi32>
    %neg3A_51 = arith.constant 0.000000e+00 : f32
    %neg3A_52 = vector.broadcast %neg3A_51 : f32 to vector<8000x80xf32>
    %neg3A_53 = arith.subf %neg3A_52, %get3A_40 : vector<8000x80xf32>
    %select_n3A_54 = arith.select %eq3A_50, %neg3A_53, %get3A_40 : vector<8000x80xi1>, vector<8000x80xf32>
    %mul3A_55 = arith.constant 1.44269502 : f32
    %mul3A_56 = vector.broadcast %mul3A_55 : f32 to vector<8000x80xf32>
    %mul3A_57 = arith.mulf %select_n3A_54, %mul3A_56 : vector<8000x80xf32>
    %exp23A_58 = math.exp2 %mul3A_57 : vector<8000x80xf32>
    %add3A_59 = arith.constant 1.000000e+00 : f32
    %add3A_60 = vector.broadcast %add3A_59 : f32 to vector<8000x80xf32>
    %add3A_61 = arith.addf %add3A_60, %exp23A_58 : vector<8000x80xf32>
    %log3A_62 = math.log %add3A_61 : vector<8000x80xf32>
    %log3A_63 = arith.constant 2.000000e+00 : f32
    %log3A_64 = math.log %log3A_63 : f32
    %div3A_65 = vector.broadcast %log3A_64 : f32 to vector<8000x80xf32>
    %div3A_66 = arith.divf %log3A_62, %div3A_65 : vector<8000x80xf32>
    %div3A_67 = arith.constant 1.000000e+00 : f32
    %div3A_68 = vector.broadcast %div3A_67 : f32 to vector<8000x80xf32>
    %div3A_69 = arith.divf %div3A_68, %add3A_61 : vector<8000x80xf32>
    %mul3A_70 = arith.mulf %exp23A_58, %div3A_69 : vector<8000x80xf32>
    %jit3A_71 = arith.constant 0.173286796 : f32
    %jit3A_72 = arith.constant 0.519860387 : f32
    %broadcast_in_dim3A_73 = vector.broadcast %jit3A_71 : f32 to vector<8000x80xf32>
    %broadcast_in_dim3A_74 = vector.broadcast %jit3A_72 : f32 to vector<8000x80xf32>
    %select_n3A_75 = arith.select %eq3A_50, %broadcast_in_dim3A_73, %broadcast_in_dim3A_74 : vector<8000x80xi1>, vector<8000x80xf32>
    %mul3A_76 = arith.mulf %select_n3A_75, %div3A_66 : vector<8000x80xf32>
    %mul3A_77 = arith.mulf %mul3A_70, %mul3A_70 : vector<8000x80xf32>
    %mul3A_78 = arith.mulf %mul3A_76, %mul3A_77 : vector<8000x80xf32>
    %reduce_sum3A_79 = vector.shape_cast %mul3A_78 : vector<8000x80xf32> to vector<1x8000x80xf32>
    %reduce_sum3A_80 = arith.constant dense<0.000000e+00> : vector<1xf32>
    %reduce_sum3A_81 = vector.multi_reduction <add>, %reduce_sum3A_79, %reduce_sum3A_80 [1, 2] : vector<1x8000x80xf32> to vector<1xf32>
    %reduce_sum3A_82 = vector.shape_cast %reduce_sum3A_81 : vector<1xf32> to vector<1x1x1xf32>
    %reduce_sum3A_83 = vector.extract %reduce_sum3A_82[0, 0, 0] : f32 from vector<1x1x1xf32>
    %add3A_84 = arith.addf %add3A_35, %reduce_sum3A_83 : f32
    %get3A_85 = arith.constant 0 : index
    %get3A_86 = arith.constant 16000 : index
    %get3A_87 = arith.constant 0 : index
    %get3A_88 = vector.load %arg2[%get3A_85, %get3A_86, %get3A_87] : memref<1x24000x80xf32, #tpu.memory_space<vmem>>, vector<1x8000x80xf32>
    %get3A_89 = vector.shape_cast %get3A_88 : vector<1x8000x80xf32> to vector<8000x80xf32>
    %get3A_90 = arith.constant 0 : index
    %get3A_91 = arith.constant 2 : index
    %get3A_92 = arith.constant 0 : index
    %get3A_93 = arith.constant 0 : index
    %get3A_94 = vector.load %arg3[%get3A_90, %get3A_91, %get3A_92, %get3A_93] : memref<1x3x1x8000xi32, #tpu.memory_space<vmem>>, vector<1x1x1x8000xi32>
    %get3A_95 = vector.shape_cast %get3A_94 : vector<1x1x1x8000xi32> to vector<8000xi32>
    %reshape3A_96 = vector.shape_cast %get3A_95 : vector<8000xi32> to vector<8000x1xi32>
    %iota3A_97 = tpu.iota {dimensions = array<i32: 1>} : vector<8000x80xi32>
    %eq3A_98 = vector.broadcast %reshape3A_96 : vector<8000x1xi32> to vector<8000x80xi32>
    %eq3A_99 = arith.cmpi eq, %iota3A_97, %eq3A_98 : vector<8000x80xi32>
    %neg3A_100 = arith.constant 0.000000e+00 : f32
    %neg3A_101 = vector.broadcast %neg3A_100 : f32 to vector<8000x80xf32>
    %neg3A_102 = arith.subf %neg3A_101, %get3A_89 : vector<8000x80xf32>
    %select_n3A_103 = arith.select %eq3A_99, %neg3A_102, %get3A_89 : vector<8000x80xi1>, vector<8000x80xf32>
    %mul3A_104 = arith.constant 1.44269502 : f32
    %mul3A_105 = vector.broadcast %mul3A_104 : f32 to vector<8000x80xf32>
    %mul3A_106 = arith.mulf %select_n3A_103, %mul3A_105 : vector<8000x80xf32>
    %exp23A_107 = math.exp2 %mul3A_106 : vector<8000x80xf32>
    %add3A_108 = arith.constant 1.000000e+00 : f32
    %add3A_109 = vector.broadcast %add3A_108 : f32 to vector<8000x80xf32>
    %add3A_110 = arith.addf %add3A_109, %exp23A_107 : vector<8000x80xf32>
    %log3A_111 = math.log %add3A_110 : vector<8000x80xf32>
    %log3A_112 = arith.constant 2.000000e+00 : f32
    %log3A_113 = math.log %log3A_112 : f32
    %div3A_114 = vector.broadcast %log3A_113 : f32 to vector<8000x80xf32>
    %div3A_115 = arith.divf %log3A_111, %div3A_114 : vector<8000x80xf32>
    %div3A_116 = arith.constant 1.000000e+00 : f32
    %div3A_117 = vector.broadcast %div3A_116 : f32 to vector<8000x80xf32>
    %div3A_118 = arith.divf %div3A_117, %add3A_110 : vector<8000x80xf32>
    %mul3A_119 = arith.mulf %exp23A_107, %div3A_118 : vector<8000x80xf32>
    %jit3A_120 = arith.constant 0.173286796 : f32
    %jit3A_121 = arith.constant 0.519860387 : f32
    %broadcast_in_dim3A_122 = vector.broadcast %jit3A_120 : f32 to vector<8000x80xf32>
    %broadcast_in_dim3A_123 = vector.broadcast %jit3A_121 : f32 to vector<8000x80xf32>
    %select_n3A_124 = arith.select %eq3A_99, %broadcast_in_dim3A_122, %broadcast_in_dim3A_123 : vector<8000x80xi1>, vector<8000x80xf32>
    %mul3A_125 = arith.mulf %select_n3A_124, %div3A_115 : vector<8000x80xf32>
    %mul3A_126 = arith.mulf %mul3A_119, %mul3A_119 : vector<8000x80xf32>
    %mul3A_127 = arith.mulf %mul3A_125, %mul3A_126 : vector<8000x80xf32>
    %reduce_sum3A_128 = vector.shape_cast %mul3A_127 : vector<8000x80xf32> to vector<1x8000x80xf32>
    %reduce_sum3A_129 = arith.constant dense<0.000000e+00> : vector<1xf32>
    %reduce_sum3A_130 = vector.multi_reduction <add>, %reduce_sum3A_128, %reduce_sum3A_129 [1, 2] : vector<1x8000x80xf32> to vector<1xf32>
    %reduce_sum3A_131 = vector.shape_cast %reduce_sum3A_130 : vector<1xf32> to vector<1x1x1xf32>
    %reduce_sum3A_132 = vector.extract %reduce_sum3A_131[0, 0, 0] : f32 from vector<1x1x1xf32>
    %add3A_133 = arith.addf %add3A_84, %reduce_sum3A_132 : f32
    %reshape3A_134 = vector.broadcast %add3A_133 : f32 to vector<1x1xf32>
    %eq3A_135 = arith.constant 0 : i32
    %eq3A_136 = arith.cmpi eq, %arg1, %eq3A_135 : i32
    %convert_element_type3A = arith.extui %eq3A_136 : i1 to i32
    %cond3A = arith.constant 0 : i32
    %cond3A_137 = arith.cmpi ne, %convert_element_type3A, %cond3A : i32
    scf.if %cond3A_137 {
      %swap3A = arith.constant 0 : index
      %swap3A_142 = arith.constant 0 : index
      %swap3A_143 = arith.constant 0 : index
      %swap3A_144 = vector.load %arg4[%swap3A, %swap3A_142, %swap3A_143] : memref<1x1x1xf32, #tpu.memory_space<vmem>>, vector<1x1x1xf32>
      %swap3A_145 = vector.shape_cast %swap3A_144 : vector<1x1x1xf32> to vector<1x1xf32>
      %swap3A_146 = vector.shape_cast %reshape3A_134 : vector<1x1xf32> to vector<1x1x1xf32>
      tpu.vector_store %arg4[%swap3A, %swap3A_142, %swap3A_143], %swap3A_146 {strides = array<i32>} : memref<1x1x1xf32, #tpu.memory_space<vmem>>, vector<1x1x1xf32>,
    } else {
    }
    %gt3A = arith.constant 0 : i32
    %gt3A_138 = arith.cmpi sgt, %arg1, %gt3A : i32
    %convert_element_type3A_139 = arith.extui %gt3A_138 : i1 to i32
    %cond3A_140 = arith.constant 0 : i32
    %cond3A_141 = arith.cmpi ne, %convert_element_type3A_139, %cond3A_140 : i32
    scf.if %cond3A_141 {
      %get3A_142 = arith.constant 0 : index
      %get3A_143 = arith.constant 0 : index
      %get3A_144 = arith.constant 0 : index
      %get3A_145 = vector.load %arg4[%get3A_142, %get3A_143, %get3A_144] : memref<1x1x1xf32, #tpu.memory_space<vmem>>, vector<1x1x1xf32>
      %get3A_146 = vector.shape_cast %get3A_145 : vector<1x1x1xf32> to vector<1x1xf32>
      %add3A_147 = arith.addf %get3A_146, %reshape3A_134 : vector<1x1xf32>
      %swap3A = arith.constant 0 : index
      %swap3A_148 = arith.constant 0 : index
      %swap3A_149 = arith.constant 0 : index
      %swap3A_150 = vector.load %arg4[%swap3A, %swap3A_148, %swap3A_149] : memref<1x1x1xf32, #tpu.memory_space<vmem>>, vector<1x1x1xf32>
      %swap3A_151 = vector.shape_cast %swap3A_150 : vector<1x1x1xf32> to vector<1x1xf32>
      %swap3A_152 = vector.shape_cast %add3A_147 : vector<1x1xf32> to vector<1x1x1xf32>
      tpu.vector_store %arg4[%swap3A, %swap3A_148, %swap3A_149], %swap3A_152 {strides = array<i32>} : memref<1x1x1xf32, #tpu.memory_space<vmem>>, vector<1x1x1xf32>,
    } else {
    }
    return
  }
  func.func @transform_0(%arg0: i32, %arg1: i32) -> (i32, i32, i32) {
    %c0_i32 = arith.constant 0 : i32
    %c0_i32_0 = arith.constant 0 : i32
    return %arg0, %arg1, %c0_i32 : i32, i32, i32
  }
  func.func @transform_1(%arg0: i32, %arg1: i32) -> (i32, i32, i32, i32) {
    %c0_i32 = arith.constant 0 : i32
    %c0_i32_0 = arith.constant 0 : i32
    %c0_i32_1 = arith.constant 0 : i32
    return %arg0, %arg1, %c0_i32, %c0_i32_0 : i32, i32, i32, i32
  }
  func.func @transform_2(%arg0: i32, %arg1: i32) -> (i32, i32, i32) {
    %c0_i32 = arith.constant 0 : i32
    %c0_i32_0 = arith.constant 0 : i32
    %c0_i32_1 = arith.constant 0 : i32
    return %arg0, %c0_i32, %c0_i32_0 : i32, i32, i32
  }
}

</mosaic_0001>

<sc_bundles>
// kernel: kernel.4.cloned.1.call-start
scs
__scs_entry_jumppad:
0x0: {  	(pc) =	sbr.rel $0x88, $3  }
0x1: {  	(tag) =	ssettag $0x0;
	lr =	simm.s32 $0x1  }
0x2: {  	[smem:$0x3F9E] =	sst lr;
	_ =	strace $0xD0000000  }
0x3: {  	_ = 	snop  }
0x4: {  	_ = 	snop  }
0x5: {  	_ = 	snop  }
0x6: {  	_ = 	snop  }
0x7: {  	_ = 	snop  }
__scs_overlays_trampoline_lowered:
0x8: {  	[smem:$0x3FAD] =	sst s0  }
0x9: {  	[smem:$0x3FAE] =	sst s1  }
0xa: {  	[smem:$0x3FAF] =	sst s2  }
0xb: {  	[smem:$0x3FB0] =	sst s3  }
0xc: {  	[smem:$0x3FB1] =	sst s4  }
0xd: {  	[smem:$0x3FB2] =	sst s5  }
0xe: {  	[smem:$0x3FB3] =	sst s6  }
0xf: {  	[smem:$0x3FB4] =	sst s7  }
0x10: {  	[smem:$0x3FB5] =	sst s8  }
0x11: {  	[smem:$0x3FB6] =	sst s9;
	s0 =	simm.s32 @!p0 $0x0  }
0x12: {  	s1 =	sld [smem:$0x3F9C];
	s0 =	simm.s32 @p0 $0x1  }
0x13: {  	[smem:$0x3FB7] =	sst s0;
	s0 =	simm.s32 @!p1 $0x0  }
0x14: {  	s2 =	sld [smem:$0x3F9B];
	s0 =	simm.s32 @p1 $0x1  }
0x15: {  	[smem:$0x3FB8] =	sst s0;
	s0 =	simm.s32 @!p2 $0x0  }
0x16: {  	s3 =	sld [smem:$0x3FDB];
	s0 =	simm.s32 @p2 $0x1  }
0x17: {  	s4 =	simm.s32 $0x1BF5;
	[smem:$0x3FBA] =	sst s0  }
0x18: {  	s0 =	sld [smem:$0x3F9D];
	_ =	swait.ge [sflag:s4], $0x0  }
0x19: {  	s7 =	sld [smem:$0x3F9E]  }
0x1a: {  	s8 =	sadd.s32 $0xFFFFE003, lr  }
0x1b: {  	s9 =	sadd.s32 $0xFFFFFEF7, lr;
	s5 =	simm.s32 $0xFFFFFFFF;
	p2 =	slt.u32 s8, $0xFFFFF086  }
0x1c: {  	p1 =	slt.u32 s9, $0xF7A;
	s5 =	simm.s32 @!p2 $0x0  }
0x1d: {  	s5 =	simm.s32 @p1 $0x1;
	p0 =	seq.s32 s7, s2  }
0x1e: {  	s7 =	smul.u32 @!p0 $0xF7A, s2;
	p2 =	seq.s32 @!p0 s5, $0x0  }
0x1f: {  	s9 =	smul.u32 $0xF7A, s1;
	s8 =	simm.s32 @!p0 $0x1BF5;
	p2 =	por !p2, p0  }
0x20: {  	[sflag:s8] =	ssyncset.s32 @!p0 $0xFFFFF086;
	s6 =	sadd.s32 @!p0 s3, s7;
	s7 =	simm.s32 @!p0 $0x108  }
0x21: {  	s3 =	sadd.s32 s3, s9;
	s6 =	sadd.s32 @!p0 $0x88, s6;
	s7 =	simm.s32 @p2 $0x1082  }
0x22: {  	[simem:s7], [sflag:s8] =	dma.local @!p0 [hbm:s6], $0xF7A  }
0x23: {  	s9 =	sor.u32 $0xD0000000, s2;
	s6 =	simm.s32 $0x108;
	_ =	swait.ge @!p0 [sflag:s8], $0x0  }
0x24: {  	s3 =	sadd.s32 $0x88, s3;
	s6 =	simm.s32 @!p1 $0x1082;
	[sflag:s4] =	ssyncset.s32 $0xFFFFF086  }
0x25: {  	[simem:s6], [sflag:s4] =	dma.local [hbm:s3], $0xF7A  }
0x26: {  	[smem:$0x3F9E] =	sst s1;
	(tag) =	ssettag s2;
	_ =	strace s9  }
0x27: {  	s1 =	sld [smem:$0x3FAE]  }
0x28: {  	s2 =	sld [smem:$0x3FAF]  }
0x29: {  	s4 =	sld [smem:$0x3FB1]  }
0x2a: {  	p0 =	seq.s32 s5, $0x0;
	s5 =	sld [smem:$0x3FB2]  }
0x2b: {  	s6 =	sld [smem:$0x3FB3]  }
0x2c: {  	s7 =	sld [smem:$0x3FB4]  }
0x2d: {  	s3 =	simm.s32 $0x108;
	s8 =	sld [smem:$0x3FB5]  }
0x2e: {  	s3 =	simm.s32 @!p0 $0x1082;
	s9 =	sld [smem:$0x3FB6]  }
0x2f: {  	lr =	sadd.s32 s0, s3;
	s0 =	sld [smem:$0x3FAD]  }
0x30: {  	s3 =	sld [smem:$0x3FB0]  }
0x31: {  	[smem:$0x3FB9] =	sst s10  }
0x32: {  	s10 =	sld [smem:$0x3FB7];
	_ =	sdelay $0x3  }
0x33: {  	p0 =	seq.s32 s10, $0x1;
	s10 =	sld [smem:$0x3FB9];
	_ =	sdelay $0x3  }
0x34: {  	[smem:$0x3FB9] =	sst s10  }
0x35: {  	s10 =	sld [smem:$0x3FB8];
	_ =	sdelay $0x3  }
0x36: {  	p1 =	seq.s32 s10, $0x1;
	s10 =	sld [smem:$0x3FB9];
	_ =	sdelay $0x3  }
0x37: {  	[smem:$0x3FB9] =	sst s10  }
0x38: {  	s10 =	sld [smem:$0x3FBA]  }
0x39: {  	_ = 	snop;
	(pc) =	sbr.ind lr, $3  }
0x3a: {  	_ = 	snop  }
0x3b: {  	_ = 	snop  }
0x3c: {  	p2 =	seq.s32 s10, $0x1;
	s10 =	sld [smem:$0x3FB9]  }
0x3d: {  	_ =	shalt  }
0x3e: {  	_ =	shalt  }
0x3f: {  	_ =	shalt  }
0x40: {  	_ =	shalt  }
0x41: {  	_ =	shalt  }
0x42: {  	_ =	shalt  }
0x43: {  	_ =	shalt  }
0x44: {  	_ =	shalt  }
0x45: {  	_ =	shalt  }
0x46: {  	_ =	shalt  }
0x47: {  	_ =	shalt  }
0x48: {  	_ =	shalt  }
0x49: {  	_ =	shalt  }
0x4a: {  	_ =	shalt  }
0x4b: {  	_ =	shalt  }
0x4c: {  	_ =	shalt  }
0x4d: {  	_ =	shalt  }
0x4e: {  	_ =	shalt  }
0x4f: {  	_ =	shalt  }
0x50: {  	_ =	shalt  }
0x51: {  	_ =	shalt  }
0x52: {  	_ =	shalt  }
0x53: {  	_ =	shalt  }
0x54: {  	_ =	shalt  }
0x55: {  	_ =	shalt  }
0x56: {  	_ =	shalt  }
0x57: {  	_ =	shalt  }
0x58: {  	_ =	shalt  }
0x59: {  	_ =	shalt  }
0x5a: {  	_ =	shalt  }
0x5b: {  	_ =	shalt  }
0x5c: {  	_ =	shalt  }
0x5d: {  	_ =	shalt  }
0x5e: {  	_ =	shalt  }
0x5f: {  	_ =	shalt  }
0x60: {  	_ =	shalt  }
0x61: {  	_ =	shalt  }
0x62: {  	_ =	shalt  }
0x63: {  	_ =	shalt  }
0x64: {  	_ =	shalt  }
0x65: {  	_ =	shalt  }
0x66: {  	_ =	shalt  }
0x67: {  	_ =	shalt  }
0x68: {  	_ =	shalt  }
0x69: {  	_ =	shalt  }
0x6a: {  	_ =	shalt  }
0x6b: {  	_ =	shalt  }
0x6c: {  	_ =	shalt  }
0x6d: {  	_ =	shalt  }
0x6e: {  	_ =	shalt  }
0x6f: {  	_ =	shalt  }
0x70: {  	_ =	shalt  }
0x71: {  	_ =	shalt  }
0x72: {  	_ =	shalt  }
0x73: {  	_ =	shalt  }
0x74: {  	_ =	shalt  }
0x75: {  	_ =	shalt  }
0x76: {  	_ =	shalt  }
0x77: {  	_ =	shalt  }
0x78: {  	_ =	shalt  }
0x79: {  	_ =	shalt  }
0x7a: {  	_ =	shalt  }
0x7b: {  	_ =	shalt  }
0x7c: {  	_ =	shalt  }
0x7d: {  	_ =	shalt  }
0x7e: {  	_ =	shalt  }
0x7f: {  	_ =	shalt  }
0x80: {  	_ =	shalt  }
0x81: {  	_ =	shalt  }
0x82: {  	_ =	shalt  }
0x83: {  	_ =	shalt  }
0x84: {  	_ =	shalt  }
0x85: {  	_ =	shalt  }
0x86: {  	_ =	shalt  }
0x87: {  	_ =	shalt  }
.Lfunc_end0:
.L_simem_size_0:
called_computation_lowered:
.L_overlay_start_0:
0x88: {  	s2 =	sld [smem:$0x3FD9]  }
0x89: {  	s3 =	sld [smem:$0x3FFE];
	_ =	sdelay $0x1  }
0x8a: {  	s1 =	srdreg.scid  }
0x8b: {  	s0 =	sand.u32 $0x1, s1  }
0x8c: {  	s16 =	sshll.u32 s0, $0xA;
	s2 =	sadd.s32 s3, s2  }
0x8d: {  	s2 =	sadd.s32 s2, s16  }
0x8e: {  	[smem:$0x3FC5] =	sst s2  }
0x8f: {  	_ = 	snop  }
0x90: {  	(tm) =	ssettm $0x1  }
0x91: {  	s17 =	sld [smem:$0x3FFB];
	_ =	sdelay $0x3  }
0x92: {  	_ =	strace s17  }
0x93: {  	s2 =	sld [smem:$0x3FFC];
	_ =	sdelay $0x3  }
0x94: {  	_ =	strace s2  }
0x95: {  	s2 =	sld [smem:$0x3FFD];
	_ =	sdelay $0x3  }
0x96: {  	_ =	strace s2  }
0x97: {  	_ =	strace $0x8FFFFFFF  }
0x98: {  	s18 =	sld [smem:$0x3FDB];
	_ =	sdelay $0x1  }
0x99: {  	s19 =	simm.s32 $_scs_section_size  }
0x9a: {  	s4 =	simm.s32 $_size__tile_overlayer_lowered;
	s5 =	simm.s32 $_tile_overlayer_lowered  }
0x9b: {  	s22 =	simm.s32 $0x1BFF;
	s21 =	sshll.u32 s5, $0x1;
	s2 =	sadd.s32 s19, s18  }
0x9c: {  	s6 =	simm.s32 $0x0;
	s20 =	sshll.u32 s4, $0x1;
	s4 =	sadd.s32 s21, s2  }
0x9d: {  	[timem:s6], [sflag:s22] =	dma.local [hbm:s4], s20  }
0x9e: {  	_ =	swait.ge [sflag:s22], s20  }
0x9f: {  	s3 =	ssub.s32 $0x0, s20;
	[sflag:s22] =	ssyncset.done $0x0  }
0xa0: {  	[sflag:s22] =	ssyncadd.s32 s3;
	_ =	sdelay $0x1  }
0xa1: {  	s23 =	simm.s32 $0x1B8B  }
0xa2: {  	_ =	swait.ge [sflag:s23], $0x1  }
0xa3: {  	[sflag:s23] =	ssyncset.done $0x0  }
0xa4: {  	s25 =	simm.s32 $0x1B8E;
	s24 =	sld [smem:$0x3FFE];
	[sflag:s23] =	ssyncadd.s32 $0xFFFFFFFF  }
0xa5: {  	s26 =	simm.s32 $execute0_lowered;
	[smem:$0x3FD2] =	sst s25  }
0xa6: {  	s4 =	sshll.u32 s26, $0x1;
	_ =	strace $0x80000046;
	[dreg:$0x1] =	wrdreg $0xFFFFFFFF  }
0xa7: {  	s28 =	simm.s32 $_size_execute0_lowered;
	s2 =	sadd.s32 s2, s4;
	[dreg:$0x0] =	wrdreg $0x0  }
0xa8: {  	s4 =	sshll.u32 s28, $0x1;
	[dreg:$0x2] =	wrdreg s2  }
0xa9: {  	[dreg:$0x3] =	wrdreg s4  }
0xaa: {  	[dreg:$0x4] =	wrdreg $0xC0  }
0xab: {  	_ =	task [dreg:s6], $0x5FFFF  }
0xac: {  	[dreg:$0x1] =	wrdreg $0xFFFFFFFF  }
0xad: {  	[dreg:$0x0] =	wrdreg $0x60  }
0xae: {  	[dreg:$0x2] =	wrdreg s24  }
0xaf: {  	[dreg:$0x3] =	wrdreg $0x9  }
0xb0: {  	_ =	task.clear_ibuf [dreg:s6], $0x4FFFF;
	_ =	strace $0x90000046  }
0xb1: {  	s29 =	simm.s32 $0x9;
	_ =	strace $0x80000048  }
0xb2: {  	_ =	swait.ge [sflag:s29], $0x1  }
0xb3: {  	[sflag:s29] =	ssyncadd.s32 $0xFFFFFFFF  }
0xb4: {  	_ =	strace $0x90000048  }
0xb5: {  	_ =	sfence  }
0xb6: {  	s30 =	sld [smem:$0x0];
	_ =	sdelay $0x2  }
0xb7: {  	s31 =	sshll.u32 s1, $0xD;
	s1 =	sshrl.u32 s1, $0x2  }
0xb8: {  	s3 =	sand.u32 $0x4000, s31;
	s1 =	sadd.s32 s1, s30  }
0xb9: {  	s0 =	sor.u32 s3, s0;
	s1 =	sshll.u32 s1, $0x11  }
0xba: {  	s0 =	sor.u32 s1, s0  }
0xbb: {  	s0 =	sadd.s32 $0x8F2B, s0  }
0xbc: {  	[sflag:s0] =	ssyncadd.remote.s32 $0x1  }
0xbd: {  	_ =	sfence.sel $0xFFFF  }
0xbe: {  	[dreg:$0x0] =	wrdreg $0xFFFFFFFF;
	(pc) =	sbr.abs _section_cstart, $3  }
0xbf: {  	[dreg:$0x1] =	wrdreg $0xFFFFFFFF  }
0xc0: {  	_ =	task.clear_ibuf [dreg:s6], $0x2FFFF;
	_ =	strace $0x9FFFFFFF  }
0xc1: {  	(tm) =	ssettm $0x7FFFFFFF  }
tec
execute0_lowered:
.L_overlay_start_1:
0x0: {  	(tag) =	ssettag $0x1  }
0x1: {  	s1 =	srdreg.scid;
	s0 =	stileid.u32  }
0x2: {  	s2 =	rddreg [dreg:$0x0];
	s3 =	simm.s32 $0x0;
	s14 =	simm.s32 $0x2200  }
0x3: {  	s15 =	simm.s32 $0x1;
	s16 =	simm.s32 $0x2000;
	s17 =	simm.s32 $0x1000  }
0x4: {  	s4 =	sand.u32 $0x1, s1;
	s30 =	sshll.u32 s0, $0x1;
	s1 =	rddreg [dreg:$0x1]  }
0x5: {  	s18 =	simm.s32 $0x0;
	[smem:$0x7FF] =	sst s3;
	s5 =	sor.u32 s4, s30  }
0x6: {  	p0 =	sne.s32 s0, $0xF;
	s4 =	ssub.s32 $0x2, s4;
	s6 =	smul.u32 $0xFA0, s5  }
0x7: {  	_ =	strace $0x80000047;
	s5 =	sshll.u32 s5, $0x3;
	s31 =	sshrl.u32 s4, $0x1  }
.Ltmp0:
0x8: {  	s12 =	sadd.s32 s5, s2;
	s6 =	sshrl.u32 s6, $0x3;
	(pc) =	sbr.rel .LBB2_1-.Ltmp0, $4  }
0x9: {  	s13 =	ssub.s32 s4, s31;
	s12 =	sadd.s32 $0x1E800, s12;
	s11 =	sadd.s32 s6, s2  }
0xa: {  	s13 =	smax.u32 s13, $0x1;
	s4 =	sadd.s32 $0x200, s11;
	s5 =	sadd.s32 $0xEE00, s11  }
0xb: {  	s6 =	sadd.s32 $0x3C98, s11;
	s7 =	sadd.s32 $0x12C80, s11;
	s8 =	sadd.s32 $0x7730, s11  }
0xc: {  	v0 =	vimm.s32 $0x0;
	v1 =	vimm.s32 $0xFFFFFFFF;
	s9 =	sadd.s32 $0x16B00, s11;
	s10 =	sadd.s32 $0xB1C8, s11;
	s11 =	sadd.s32 $0x1A980, s11  }
.LBB2_2:
0xd: {  	[tilespmem:$0x2200] =	vst v0  }
0xe: {  	[tilespmem:$0x2210] =	vst v0  }
0xf: {  	[tilespmem:$0x2220] =	vst v0  }
0x10: {  	[tilespmem:$0x2230] =	vst v0  }
.LBB2_12:
0x11: {  	s18 =	sadd.s32 $0x1, s18  }
0x12: {  	p1 =	sne.s32 s18, s13  }
.Ltmp1:
0x13: {  	_ = 	snop;
	(pc) =	sbr.rel @!p1 .LBB2_13-.Ltmp1, $4  }
0x14: {  	[hbm4b:s12+s3] =	stream.linear.scatter [tilespmem:s14], [sflag:$0x1], $0x40, $0x38;
	[tilespmem:$0x2280] =	vst v63  }
0x15: {  	_ =	swait.ge [sflag:s15], $0x40  }
0x16: {  	[sflag:s15] =	ssyncset.done $0x0  }
0x17: {  	[sflag:s15] =	ssyncadd.s32 $0xFFFFFFC0  }
.LBB2_1:
.Ltmp2:
0x18: {  	(pc) =	sbr.rel @!p0 .LBB2_2-.Ltmp2, $1  }
0x19: {  	_ =	sdelay $0x3  }
0x1a: {  	s19 =	simm.s32 $0x0  }
0x1b: {  	[tilespmem:s16], [sflag:$0x1] =	stream.linear.gather [hbm4b:s2+s19], $0x200, $0x38;
	[tilespmem:$0x2280] =	vst v63  }
0x1c: {  	_ =	swait.ge [sflag:s15], $0x200  }
0x1d: {  	[sflag:s15] =	ssyncset.done $0x0  }
0x1e: {  	[sflag:s15] =	ssyncadd.s32 $0xFFFFFE00  }
0x1f: {  	[tilespmem:s19], [sflag:$0x1] =	stream.linear.gather [hbm4b:s4+s19], $0xFA0, $0x38;
	[tilespmem:$0x2280] =	vst v63  }
0x20: {  	_ =	swait.ge [sflag:s15], $0xFA0  }
0x21: {  	[sflag:s15] =	ssyncset.done $0x0  }
0x22: {  	s19 =	simm.s32 $0x0;
	[sflag:s15] =	ssyncadd.s32 $0xFFFFF060  }
0x23: {  	v2 =	vld [tilespmem:s19+$0x0];
	_ =	sdelay $0x4  }
0x24: {  	vm0 =	vgt.s32 v2, $0x0  }
0x25: {  	v3 =	vnsel vm0, $0x0, v2  }
0x26: {  	v5 =	vld [tilespmem:s19+$0x10];
	_ =	sdelay $0x3  }
0x27: {  	v3 =	vld.idx.msk [tilespmem:v3+s16+$0x0], $0xffff  }
0x28: {  	vm0 =	vgt.s32 v5, $0x0  }
0x29: {  	v4 =	vnsel vm0, $0x0, v5  }
0x2a: {  	v6 =	vld [tilespmem:s19+$0x20];
	vm1 =	veq.s32 v2, $0xFFFFFFFE  }
0x2b: {  	vm0 =	vgt.s32 v2, $0xFFFFFFFF;
	v2 =	vsel vm1, $0xFFFFFFFE, v1  }
0x2c: {  	v2 =	vsel vm0, v3, v2  }
0x2d: {  	[tilespmem:s19+$0x1000] =	vst v2  }
0x2e: {  	v2 =	vld.idx.msk [tilespmem:v4+s16+$0x0], $0xffff  }
0x2f: {  	vm1 =	vgt.s32 v6, $0x0  }
0x30: {  	v3 =	vnsel vm1, $0x0, v6  }
0x31: {  	vm2 =	veq.s32 v5, $0xFFFFFFFE;
	v4 =	vld [tilespmem:s19+$0x30]  }
0x32: {  	vm1 =	vgt.s32 v5, $0xFFFFFFFF;
	v5 =	vsel vm2, $0xFFFFFFFE, v1  }
0x33: {  	v2 =	vsel vm1, v2, v5  }
0x34: {  	[tilespmem:s19+$0x1010] =	vst v2  }
0x35: {  	v2 =	vld.idx.msk [tilespmem:v3+s16+$0x0], $0xffff  }
0x36: {  	vm2 =	vgt.s32 v4, $0x0  }
0x37: {  	v5 =	vnsel vm2, $0x0, v4  }
0x38: {  	vm3 =	veq.s32 v6, $0xFFFFFFFE;
	v3 =	vld [tilespmem:s19+$0x40]  }
0x39: {  	vm2 =	vgt.s32 v6, $0xFFFFFFFF;
	v6 =	vsel vm3, $0xFFFFFFFE, v1  }
0x3a: {  	v2 =	vsel vm2, v2, v6  }
0x3b: {  	[tilespmem:s19+$0x1020] =	vst v2  }
0x3c: {  	v5 =	vld.idx.msk [tilespmem:v5+s16+$0x0], $0xffff  }
0x3d: {  	vm3 =	vgt.s32 v3, $0x0  }
0x3e: {  	v6 =	vnsel vm3, $0x0, v3  }
0x3f: {  	s20 =	simm.s32 $0x50;
	s21 =	simm.s32 $0x280;
	vm4 =	veq.s32 v4, $0xFFFFFFFE;
	v2 =	vimm.s32 $0x0  }
.LBB2_4:
0x40: {  	p1 =	sne.s32 s21, $0x3D40;
	v7 =	vld [tilespmem:s20+$0x0];
	vm3 =	vgt.s32 v4, $0xFFFFFFFF;
	v4 =	vsel vm4, $0xFFFFFFFE, v1  }
0x41: {  	v4 =	vsel vm3, v5, v4  }
0x42: {  	[tilespmem:s19+$0x1030] =	vst v4  }
0x43: {  	v4 =	vld.idx.msk [tilespmem:v6+s16+$0x0], $0xffff;
	_ =	sdelay $0x1  }
0x44: {  	v5 =	vsel vm0, $0x1, v0;
	vm0 =	vgt.s32 v3, $0xFFFFFFFF;
	vm4 =	vgt.s32 v7, $0x0  }
0x45: {  	v2 =	vadd.s32 v5, v2;
	v5 =	vsel vm1, $0x1, v0;
	v6 =	vnsel vm4, $0x0, v7  }
0x46: {  	vm1 =	veq.s32 v3, $0xFFFFFFFE;
	v2 =	vadd.s32 v5, v2;
	v5 =	vsel vm2, $0x1, v0  }
0x47: {  	v8 =	vsel vm1, $0xFFFFFFFE, v1;
	v2 =	vadd.s32 v5, v2;
	v5 =	vsel vm3, $0x1, v0;
	v3 =	vld [tilespmem:s20+$0x10]  }
0x48: {  	v2 =	vadd.s32 v5, v2;
	v5 =	vsel vm0, $0x1, v0;
	v4 =	vsel vm0, v4, v8  }
0x49: {  	v2 =	vadd.s32 v5, v2;
	[tilespmem:s19+$0x1040] =	vst v4;
	s19 =	smov.u32 s20  }
0x4a: {  	v4 =	vld.idx.msk [tilespmem:v6+s16+$0x0], $0xffff;
	_ =	sdelay $0x1  }
0x4b: {  	vm0 =	vgt.s32 v3, $0x0  }
0x4c: {  	v5 =	vnsel vm0, $0x0, v3  }
0x4d: {  	vm1 =	veq.s32 v7, $0xFFFFFFFE  }
0x4e: {  	v6 =	vsel vm1, $0xFFFFFFFE, v1;
	vm0 =	vgt.s32 v7, $0xFFFFFFFF;
	v7 =	vld [tilespmem:s19+$0x20]  }
0x4f: {  	v4 =	vsel vm0, v4, v6  }
0x50: {  	[tilespmem:s19+$0x1000] =	vst v4  }
0x51: {  	v5 =	vld.idx.msk [tilespmem:v5+s16+$0x0], $0xffff;
	_ =	sdelay $0x1  }
0x52: {  	vm1 =	vgt.s32 v7, $0x0  }
0x53: {  	v6 =	vnsel vm1, $0x0, v7  }
0x54: {  	vm2 =	veq.s32 v3, $0xFFFFFFFE  }
0x55: {  	vm1 =	vgt.s32 v3, $0xFFFFFFFF;
	v3 =	vsel vm2, $0xFFFFFFFE, v1;
	v4 =	vld [tilespmem:s19+$0x30]  }
0x56: {  	v3 =	vsel vm1, v5, v3  }
0x57: {  	[tilespmem:s19+$0x1010] =	vst v3  }
0x58: {  	v5 =	vld.idx.msk [tilespmem:v6+s16+$0x0], $0xffff;
	_ =	sdelay $0x1  }
0x59: {  	vm2 =	vgt.s32 v4, $0x0  }
0x5a: {  	v6 =	vnsel vm2, $0x0, v4  }
0x5b: {  	vm3 =	veq.s32 v7, $0xFFFFFFFE  }
0x5c: {  	vm2 =	vgt.s32 v7, $0xFFFFFFFF;
	v7 =	vsel vm3, $0xFFFFFFFE, v1;
	v3 =	vld [tilespmem:s19+$0x40]  }
0x5d: {  	v5 =	vsel vm2, v5, v7  }
0x5e: {  	[tilespmem:s19+$0x1020] =	vst v5  }
.Ltmp3:
0x5f: {  	v5 =	vld.idx.msk [tilespmem:v6+s16+$0x0], $0xffff;
	(pc) =	sbr.rel @p1 .LBB2_4-.Ltmp3, $4  }
0x60: {  	_ = 	snop  }
0x61: {  	vm3 =	vgt.s32 v3, $0x0  }
0x62: {  	v6 =	vnsel vm3, $0x0, v3  }
0x63: {  	s20 =	sshra.s32 s21, $0x2;
	s21 =	sadd.s32 $0x140, s21;
	vm4 =	veq.s32 v4, $0xFFFFFFFE  }
0x64: {  	v7 =	vld [tilespmem:s20+$0x0]  }
0x65: {  	vm3 =	vgt.s32 v4, $0xFFFFFFFF;
	v4 =	vsel vm4, $0xFFFFFFFE, v1  }
0x66: {  	v4 =	vsel vm3, v5, v4  }
0x67: {  	[tilespmem:s19+$0x1030] =	vst v4  }
0x68: {  	v4 =	vld.idx.msk [tilespmem:v6+s16+$0x0], $0xffff  }
0x69: {  	vm4 =	vgt.s32 v7, $0x0  }
0x6a: {  	v5 =	vnsel vm4, $0x0, v7  }
0x6b: {  	vm5 =	veq.s32 v3, $0xFFFFFFFE;
	v6 =	vld [tilespmem:s20+$0x10]  }
0x6c: {  	vm4 =	vgt.s32 v3, $0xFFFFFFFF;
	v3 =	vsel vm5, $0xFFFFFFFE, v1  }
0x6d: {  	v3 =	vsel vm4, v4, v3  }
0x6e: {  	[tilespmem:s19+$0x1040] =	vst v3  }
0x6f: {  	v3 =	vld.idx.msk [tilespmem:v5+s16+$0x0], $0xffff  }
0x70: {  	vm5 =	vgt.s32 v6, $0x0  }
0x71: {  	v4 =	vnsel vm5, $0x0, v6  }
0x72: {  	vm6 =	veq.s32 v7, $0xFFFFFFFE;
	v5 =	vld [tilespmem:s20+$0x20]  }
0x73: {  	vm5 =	vgt.s32 v7, $0xFFFFFFFF;
	v7 =	vsel vm6, $0xFFFFFFFE, v1  }
0x74: {  	v3 =	vsel vm5, v3, v7  }
0x75: {  	[tilespmem:s20+$0x1000] =	vst v3  }
0x76: {  	v3 =	vld.idx.msk [tilespmem:v4+s16+$0x0], $0xffff  }
0x77: {  	vm6 =	vgt.s32 v5, $0x0  }
0x78: {  	v4 =	vnsel vm6, $0x0, v5  }
0x79: {  	vm7 =	veq.s32 v6, $0xFFFFFFFE;
	v7 =	vld [tilespmem:s20+$0x30]  }
0x7a: {  	vm6 =	vgt.s32 v6, $0xFFFFFFFF;
	v6 =	vsel vm7, $0xFFFFFFFE, v1  }
0x7b: {  	v3 =	vsel vm6, v3, v6  }
0x7c: {  	[tilespmem:s20+$0x1010] =	vst v3  }
0x7d: {  	v3 =	vld.idx.msk [tilespmem:v4+s16+$0x0], $0xffff  }
0x7e: {  	vm7 =	vgt.s32 v7, $0x0  }
0x7f: {  	v4 =	vnsel vm7, $0x0, v7  }
0x80: {  	v6 =	vld [tilespmem:s20+$0x40];
	vm7 =	veq.s32 v5, $0xFFFFFFFE  }
0x81: {  	vm8 =	vgt.s32 v5, $0xFFFFFFFF;
	v5 =	vsel vm7, $0xFFFFFFFE, v1  }
0x82: {  	v3 =	vsel vm8, v3, v5  }
0x83: {  	[tilespmem:s20+$0x1020] =	vst v3  }
0x84: {  	v3 =	vld.idx.msk [tilespmem:v4+s16+$0x0], $0xffff  }
0x85: {  	vm7 =	vgt.s32 v6, $0x0  }
0x86: {  	v4 =	vnsel vm7, $0x0, v6  }
0x87: {  	v8 =	vsel vm1, $0x1, v0;
	v5 =	vsel vm0, $0x1, v0;
	vm0 =	veq.s32 v7, $0xFFFFFFFE  }
0x88: {  	v2 =	vadd.s32 v5, v2;
	v5 =	vsel vm0, $0xFFFFFFFE, v1;
	vm0 =	vgt.s32 v7, $0xFFFFFFFF  }
0x89: {  	v7 =	vsel vm2, $0x1, v0;
	v2 =	vadd.s32 v8, v2;
	v3 =	vsel vm0, v3, v5  }
0x8a: {  	v2 =	vadd.s32 v7, v2;
	v5 =	vsel vm3, $0x1, v0;
	[tilespmem:s20+$0x1030] =	vst v3  }
0x8b: {  	v2 =	vadd.s32 v5, v2;
	v3 =	vsel vm4, $0x1, v0;
	v4 =	vld.idx.msk [tilespmem:v4+s16+$0x0], $0xffff  }
0x8c: {  	v2 =	vadd.s32 v3, v2;
	v3 =	vsel vm5, $0x1, v0  }
0x8d: {  	vm1 =	vgt.s32 v6, $0xFFFFFFFF;
	v2 =	vadd.s32 v3, v2;
	v3 =	vsel vm6, $0x1, v0  }
0x8e: {  	vm2 =	veq.s32 v6, $0xFFFFFFFE;
	v2 =	vadd.s32 v3, v2;
	v3 =	vsel vm8, $0x1, v0  }
0x8f: {  	v5 =	vsel vm2, $0xFFFFFFFE, v1;
	v2 =	vadd.s32 v3, v2;
	v3 =	vsel vm0, $0x1, v0  }
0x90: {  	v2 =	vadd.s32 v3, v2;
	v3 =	vsel vm1, v4, v5;
	v4 =	vsel vm1, $0x1, v0  }
0x91: {  	[tilespmem:s20+$0x1040] =	vst v3;
	v2 =	vadd.s32 v4, v2  }
0x92: {  	s31 =	simm.s32 $0x0;
	[tilespmem:$0x2200] =	vst v2  }
0x93: {  	[hbm4b:s5+s31] =	stream.linear.scatter [tilespmem:s17], [sflag:$0x1], $0xFA0, $0x38;
	[tilespmem:$0x2280] =	vst v63  }
0x94: {  	_ =	swait.ge [sflag:s15], $0xFA0  }
0x95: {  	[sflag:s15] =	ssyncset.done $0x0  }
0x96: {  	[sflag:s15] =	ssyncadd.s32 $0xFFFFF060  }
0x97: {  	[tilespmem:s31], [sflag:$0x1] =	stream.linear.gather [hbm4b:s6+s31], $0xFA0, $0x38;
	[tilespmem:$0x2280] =	vst v63  }
0x98: {  	_ =	swait.ge [sflag:s15], $0xFA0  }
0x99: {  	[sflag:s15] =	ssyncset.done $0x0  }
0x9a: {  	s19 =	simm.s32 $0x0;
	[sflag:s15] =	ssyncadd.s32 $0xFFFFF060  }
0x9b: {  	v2 =	vld [tilespmem:s19+$0x0];
	_ =	sdelay $0x4  }
0x9c: {  	vm0 =	vgt.s32 v2, $0xFFFFFFFF;
	v3 =	vadd.s32 $0x64, v2  }
0x9d: {  	v3 =	vnsel vm0, $0x0, v3  }
0x9e: {  	v4 =	vld [tilespmem:s19+$0x10];
	_ =	sdelay $0x3  }
0x9f: {  	v3 =	vld.idx.msk [tilespmem:v3+s16+$0x0], $0xffff  }
0xa0: {  	vm1 =	vgt.s32 v4, $0xFFFFFFFF;
	v5 =	vadd.s32 $0x64, v4  }
0xa1: {  	v5 =	vnsel vm1, $0x0, v5  }
0xa2: {  	vm2 =	veq.s32 v2, $0xFFFFFFFE;
	v2 =	vld [tilespmem:s19+$0x20]  }
0xa3: {  	v6 =	vsel vm2, $0xFFFFFFFE, v1  }
0xa4: {  	v3 =	vsel vm0, v3, v6  }
0xa5: {  	[tilespmem:s19+$0x1000] =	vst v3  }
0xa6: {  	v3 =	vld.idx.msk [tilespmem:v5+s16+$0x0], $0xffff  }
0xa7: {  	vm2 =	vgt.s32 v2, $0xFFFFFFFF;
	v5 =	vadd.s32 $0x64, v2  }
0xa8: {  	v5 =	vnsel vm2, $0x0, v5  }
0xa9: {  	vm3 =	veq.s32 v4, $0xFFFFFFFE;
	v6 =	vld [tilespmem:s19+$0x30]  }
0xaa: {  	v4 =	vsel vm3, $0xFFFFFFFE, v1  }
0xab: {  	v3 =	vsel vm1, v3, v4  }
0xac: {  	[tilespmem:s19+$0x1010] =	vst v3  }
0xad: {  	v4 =	vld.idx.msk [tilespmem:v5+s16+$0x0], $0xffff  }
0xae: {  	vm3 =	vgt.s32 v6, $0xFFFFFFFF;
	v5 =	vadd.s32 $0x64, v6  }
0xaf: {  	v5 =	vnsel vm3, $0x0, v5  }
0xb0: {  	vm4 =	veq.s32 v2, $0xFFFFFFFE;
	v3 =	vld [tilespmem:s19+$0x40]  }
0xb1: {  	v2 =	vsel vm4, $0xFFFFFFFE, v1  }
0xb2: {  	v2 =	vsel vm2, v4, v2  }
0xb3: {  	[tilespmem:s19+$0x1020] =	vst v2  }
0xb4: {  	v4 =	vld.idx.msk [tilespmem:v5+s16+$0x0], $0xffff  }
0xb5: {  	vm4 =	vgt.s32 v3, $0xFFFFFFFF;
	v7 =	vadd.s32 $0x64, v3  }
0xb6: {  	v5 =	vnsel vm4, $0x0, v7  }
0xb7: {  	s21 =	simm.s32 $0x280;
	s20 =	simm.s32 $0x50;
	vm5 =	veq.s32 v6, $0xFFFFFFFE;
	v2 =	vimm.s32 $0x0  }
.LBB2_6:
0xb8: {  	p1 =	sne.s32 s21, $0x3D40;
	v6 =	vld [tilespmem:s20+$0x0];
	v7 =	vsel vm5, $0xFFFFFFFE, v1  }
0xb9: {  	v4 =	vsel vm3, v4, v7  }
0xba: {  	[tilespmem:s19+$0x1030] =	vst v4  }
0xbb: {  	v4 =	vld.idx.msk [tilespmem:v5+s16+$0x0], $0xffff;
	_ =	sdelay $0x1  }
0xbc: {  	v7 =	vsel vm0, $0x1, v0;
	v5 =	vadd.s32 $0x64, v6;
	vm0 =	vgt.s32 v6, $0xFFFFFFFF  }
0xbd: {  	v2 =	vadd.s32 v7, v2;
	v7 =	vsel vm1, $0x1, v0;
	v5 =	vnsel vm0, $0x0, v5  }
0xbe: {  	vm1 =	veq.s32 v3, $0xFFFFFFFE;
	v2 =	vadd.s32 v7, v2;
	v7 =	vsel vm2, $0x1, v0  }
0xbf: {  	v8 =	vsel vm1, $0xFFFFFFFE, v1;
	v2 =	vadd.s32 v7, v2;
	v7 =	vsel vm3, $0x1, v0;
	v3 =	vld [tilespmem:s20+$0x10]  }
0xc0: {  	v2 =	vadd.s32 v7, v2;
	v7 =	vsel vm4, $0x1, v0;
	v4 =	vsel vm4, v4, v8  }
0xc1: {  	v2 =	vadd.s32 v7, v2;
	[tilespmem:s19+$0x1040] =	vst v4;
	s19 =	smov.u32 s20  }
0xc2: {  	v4 =	vld.idx.msk [tilespmem:v5+s16+$0x0], $0xffff;
	_ =	sdelay $0x1  }
0xc3: {  	vm1 =	vgt.s32 v3, $0xFFFFFFFF;
	v5 =	vadd.s32 $0x64, v3  }
0xc4: {  	v5 =	vnsel vm1, $0x0, v5  }
0xc5: {  	vm2 =	veq.s32 v6, $0xFFFFFFFE  }
0xc6: {  	v6 =	vsel vm2, $0xFFFFFFFE, v1;
	v7 =	vld [tilespmem:s19+$0x20]  }
0xc7: {  	v4 =	vsel vm0, v4, v6  }
0xc8: {  	[tilespmem:s19+$0x1000] =	vst v4  }
0xc9: {  	v4 =	vld.idx.msk [tilespmem:v5+s16+$0x0], $0xffff;
	_ =	sdelay $0x1  }
0xca: {  	vm2 =	vgt.s32 v7, $0xFFFFFFFF;
	v5 =	vadd.s32 $0x64, v7  }
0xcb: {  	v5 =	vnsel vm2, $0x0, v5  }
0xcc: {  	vm3 =	veq.s32 v3, $0xFFFFFFFE  }
0xcd: {  	v3 =	vsel vm3, $0xFFFFFFFE, v1;
	v6 =	vld [tilespmem:s19+$0x30]  }
0xce: {  	v3 =	vsel vm1, v4, v3  }
0xcf: {  	[tilespmem:s19+$0x1010] =	vst v3  }
0xd0: {  	v4 =	vld.idx.msk [tilespmem:v5+s16+$0x0], $0xffff;
	_ =	sdelay $0x1  }
0xd1: {  	vm3 =	vgt.s32 v6, $0xFFFFFFFF;
	v3 =	vadd.s32 $0x64, v6  }
0xd2: {  	v5 =	vnsel vm3, $0x0, v3  }
0xd3: {  	vm4 =	veq.s32 v7, $0xFFFFFFFE  }
0xd4: {  	v7 =	vsel vm4, $0xFFFFFFFE, v1;
	v3 =	vld [tilespmem:s19+$0x40]  }
0xd5: {  	v4 =	vsel vm2, v4, v7  }
0xd6: {  	[tilespmem:s19+$0x1020] =	vst v4  }
.Ltmp4:
0xd7: {  	v4 =	vld.idx.msk [tilespmem:v5+s16+$0x0], $0xffff;
	(pc) =	sbr.rel @p1 .LBB2_6-.Ltmp4, $4  }
0xd8: {  	_ = 	snop  }
0xd9: {  	vm4 =	vgt.s32 v3, $0xFFFFFFFF;
	v5 =	vadd.s32 $0x64, v3  }
0xda: {  	v5 =	vnsel vm4, $0x0, v5  }
0xdb: {  	s20 =	sshra.s32 s21, $0x2;
	s21 =	sadd.s32 $0x140, s21;
	vm5 =	veq.s32 v6, $0xFFFFFFFE  }
0xdc: {  	v6 =	vld [tilespmem:s20+$0x0]  }
0xdd: {  	v7 =	vsel vm5, $0xFFFFFFFE, v1  }
0xde: {  	v4 =	vsel vm3, v4, v7  }
0xdf: {  	[tilespmem:s19+$0x1030] =	vst v4  }
0xe0: {  	v4 =	vld.idx.msk [tilespmem:v5+s16+$0x0], $0xffff  }
0xe1: {  	vm5 =	vgt.s32 v6, $0xFFFFFFFF;
	v5 =	vadd.s32 $0x64, v6  }
0xe2: {  	v5 =	vnsel vm5, $0x0, v5  }
0xe3: {  	vm6 =	veq.s32 v3, $0xFFFFFFFE;
	v3 =	vld [tilespmem:s20+$0x10]  }
0xe4: {  	v7 =	vsel vm6, $0xFFFFFFFE, v1  }
0xe5: {  	v4 =	vsel vm4, v4, v7  }
0xe6: {  	[tilespmem:s19+$0x1040] =	vst v4  }
0xe7: {  	v4 =	vld.idx.msk [tilespmem:v5+s16+$0x0], $0xffff  }
0xe8: {  	vm6 =	vgt.s32 v3, $0xFFFFFFFF;
	v5 =	vadd.s32 $0x64, v3  }
0xe9: {  	v5 =	vnsel vm6, $0x0, v5  }
0xea: {  	vm7 =	veq.s32 v6, $0xFFFFFFFE;
	v6 =	vld [tilespmem:s20+$0x20]  }
0xeb: {  	v7 =	vsel vm7, $0xFFFFFFFE, v1  }
0xec: {  	v4 =	vsel vm5, v4, v7  }
0xed: {  	[tilespmem:s20+$0x1000] =	vst v4  }
0xee: {  	v4 =	vld.idx.msk [tilespmem:v5+s16+$0x0], $0xffff  }
0xef: {  	vm7 =	vgt.s32 v6, $0xFFFFFFFF;
	v5 =	vadd.s32 $0x64, v6  }
0xf0: {  	v5 =	vnsel vm7, $0x0, v5  }
0xf1: {  	vm8 =	veq.s32 v3, $0xFFFFFFFE;
	v3 =	vld [tilespmem:s20+$0x30]  }
0xf2: {  	v7 =	vsel vm8, $0xFFFFFFFE, v1  }
0xf3: {  	v4 =	vsel vm6, v4, v7  }
0xf4: {  	[tilespmem:s20+$0x1010] =	vst v4  }
0xf5: {  	v4 =	vld.idx.msk [tilespmem:v5+s16+$0x0], $0xffff  }
0xf6: {  	vm14 =	vgt.s32 v3, $0xFFFFFFFF;
	v5 =	vadd.s32 $0x64, v3  }
0xf7: {  	v5 =	vnsel vm14, $0x0, v5  }
0xf8: {  	vm9 =	veq.s32 v6, $0xFFFFFFFE;
	v6 =	vld [tilespmem:s20+$0x40]  }
0xf9: {  	v7 =	vsel vm9, $0xFFFFFFFE, v1  }
0xfa: {  	v4 =	vsel vm7, v4, v7  }
0xfb: {  	[tilespmem:s20+$0x1020] =	vst v4  }
0xfc: {  	v4 =	vld.idx.msk [tilespmem:v5+s16+$0x0], $0xffff  }
0xfd: {  	vm15 =	vgt.s32 v6, $0xFFFFFFFF;
	v5 =	vadd.s32 $0x64, v6  }
0xfe: {  	v5 =	vnsel vm15, $0x0, v5  }
0xff: {  	v7 =	vsel vm0, $0x1, v0;
	vm0 =	veq.s32 v3, $0xFFFFFFFE  }
0x100: {  	v3 =	vsel vm1, $0x1, v0;
	v8 =	vsel vm0, $0xFFFFFFFE, v1;
	v2 =	vadd.s32 v7, v2  }
0x101: {  	v7 =	vsel vm2, $0x1, v0;
	v2 =	vadd.s32 v3, v2;
	v3 =	vsel vm14, v4, v8  }
0x102: {  	v2 =	vadd.s32 v7, v2;
	v4 =	vsel vm3, $0x1, v0;
	[tilespmem:s20+$0x1030] =	vst v3  }
0x103: {  	v2 =	vadd.s32 v4, v2;
	v3 =	vsel vm4, $0x1, v0;
	v4 =	vld.idx.msk [tilespmem:v5+s16+$0x0], $0xffff  }
0x104: {  	v2 =	vadd.s32 v3, v2;
	v3 =	vsel vm5, $0x1, v0  }
0x105: {  	v2 =	vadd.s32 v3, v2;
	v3 =	vsel vm6, $0x1, v0  }
0x106: {  	vm0 =	veq.s32 v6, $0xFFFFFFFE;
	v2 =	vadd.s32 v3, v2;
	v3 =	vsel vm7, $0x1, v0  }
0x107: {  	v5 =	vsel vm0, $0xFFFFFFFE, v1;
	v2 =	vadd.s32 v3, v2;
	v3 =	vsel vm14, $0x1, v0  }
0x108: {  	v2 =	vadd.s32 v3, v2;
	v3 =	vsel vm15, v4, v5;
	v4 =	vsel vm15, $0x1, v0  }
0x109: {  	[tilespmem:s20+$0x1040] =	vst v3;
	v2 =	vadd.s32 v4, v2  }
0x10a: {  	s31 =	simm.s32 $0x0;
	[tilespmem:$0x2210] =	vst v2  }
0x10b: {  	[hbm4b:s7+s31] =	stream.linear.scatter [tilespmem:s17], [sflag:$0x1], $0xFA0, $0x38;
	[tilespmem:$0x2280] =	vst v63  }
0x10c: {  	_ =	swait.ge [sflag:s15], $0xFA0  }
0x10d: {  	[sflag:s15] =	ssyncset.done $0x0  }
0x10e: {  	[sflag:s15] =	ssyncadd.s32 $0xFFFFF060  }
0x10f: {  	[tilespmem:s31], [sflag:$0x1] =	stream.linear.gather [hbm4b:s8+s31], $0xFA0, $0x38;
	[tilespmem:$0x2280] =	vst v63  }
0x110: {  	_ =	swait.ge [sflag:s15], $0xFA0  }
0x111: {  	[sflag:s15] =	ssyncset.done $0x0  }
0x112: {  	s19 =	simm.s32 $0x0;
	[sflag:s15] =	ssyncadd.s32 $0xFFFFF060  }
0x113: {  	v2 =	vld [tilespmem:s19+$0x0];
	_ =	sdelay $0x4  }
0x114: {  	vm0 =	vgt.s32 v2, $0xFFFFFFFF;
	v3 =	vadd.s32 $0xC8, v2  }
0x115: {  	v3 =	vnsel vm0, $0x0, v3  }
0x116: {  	v4 =	vld [tilespmem:s19+$0x10];
	_ =	sdelay $0x3  }
0x117: {  	v3 =	vld.idx.msk [tilespmem:v3+s16+$0x0], $0xffff  }
0x118: {  	vm1 =	vgt.s32 v4, $0xFFFFFFFF;
	v5 =	vadd.s32 $0xC8, v4  }
0x119: {  	v5 =	vnsel vm1, $0x0, v5  }
0x11a: {  	vm2 =	veq.s32 v2, $0xFFFFFFFE;
	v2 =	vld [tilespmem:s19+$0x20]  }
0x11b: {  	v6 =	vsel vm2, $0xFFFFFFFE, v1  }
0x11c: {  	v3 =	vsel vm0, v3, v6  }
0x11d: {  	[tilespmem:s19+$0x1000] =	vst v3  }
0x11e: {  	v3 =	vld.idx.msk [tilespmem:v5+s16+$0x0], $0xffff  }
0x11f: {  	vm2 =	vgt.s32 v2, $0xFFFFFFFF;
	v5 =	vadd.s32 $0xC8, v2  }
0x120: {  	v5 =	vnsel vm2, $0x0, v5  }
0x121: {  	vm3 =	veq.s32 v4, $0xFFFFFFFE;
	v6 =	vld [tilespmem:s19+$0x30]  }
0x122: {  	v4 =	vsel vm3, $0xFFFFFFFE, v1  }
0x123: {  	v3 =	vsel vm1, v3, v4  }
0x124: {  	[tilespmem:s19+$0x1010] =	vst v3  }
0x125: {  	v4 =	vld.idx.msk [tilespmem:v5+s16+$0x0], $0xffff  }
0x126: {  	vm3 =	vgt.s32 v6, $0xFFFFFFFF;
	v5 =	vadd.s32 $0xC8, v6  }
0x127: {  	v5 =	vnsel vm3, $0x0, v5  }
0x128: {  	vm4 =	veq.s32 v2, $0xFFFFFFFE;
	v3 =	vld [tilespmem:s19+$0x40]  }
0x129: {  	v2 =	vsel vm4, $0xFFFFFFFE, v1  }
0x12a: {  	v2 =	vsel vm2, v4, v2  }
0x12b: {  	[tilespmem:s19+$0x1020] =	vst v2  }
0x12c: {  	v4 =	vld.idx.msk [tilespmem:v5+s16+$0x0], $0xffff  }
0x12d: {  	vm4 =	vgt.s32 v3, $0xFFFFFFFF;
	v7 =	vadd.s32 $0xC8, v3  }
0x12e: {  	v5 =	vnsel vm4, $0x0, v7  }
0x12f: {  	s21 =	simm.s32 $0x280;
	s20 =	simm.s32 $0x50;
	vm5 =	veq.s32 v6, $0xFFFFFFFE;
	v2 =	vimm.s32 $0x0  }
.LBB2_8:
0x130: {  	p1 =	sne.s32 s21, $0x3D40;
	v6 =	vld [tilespmem:s20+$0x0];
	v7 =	vsel vm5, $0xFFFFFFFE, v1  }
0x131: {  	v4 =	vsel vm3, v4, v7  }
0x132: {  	[tilespmem:s19+$0x1030] =	vst v4  }
0x133: {  	v4 =	vld.idx.msk [tilespmem:v5+s16+$0x0], $0xffff;
	_ =	sdelay $0x1  }
0x134: {  	v7 =	vsel vm0, $0x1, v0;
	v5 =	vadd.s32 $0xC8, v6;
	vm0 =	vgt.s32 v6, $0xFFFFFFFF  }
0x135: {  	v2 =	vadd.s32 v7, v2;
	v7 =	vsel vm1, $0x1, v0;
	v5 =	vnsel vm0, $0x0, v5  }
0x136: {  	vm1 =	veq.s32 v3, $0xFFFFFFFE;
	v2 =	vadd.s32 v7, v2;
	v7 =	vsel vm2, $0x1, v0  }
0x137: {  	v8 =	vsel vm1, $0xFFFFFFFE, v1;
	v2 =	vadd.s32 v7, v2;
	v7 =	vsel vm3, $0x1, v0;
	v3 =	vld [tilespmem:s20+$0x10]  }
0x138: {  	v2 =	vadd.s32 v7, v2;
	v7 =	vsel vm4, $0x1, v0;
	v4 =	vsel vm4, v4, v8  }
0x139: {  	v2 =	vadd.s32 v7, v2;
	[tilespmem:s19+$0x1040] =	vst v4;
	s19 =	smov.u32 s20  }
0x13a: {  	v4 =	vld.idx.msk [tilespmem:v5+s16+$0x0], $0xffff;
	_ =	sdelay $0x1  }
0x13b: {  	vm1 =	vgt.s32 v3, $0xFFFFFFFF;
	v5 =	vadd.s32 $0xC8, v3  }
0x13c: {  	v5 =	vnsel vm1, $0x0, v5  }
0x13d: {  	vm2 =	veq.s32 v6, $0xFFFFFFFE  }
0x13e: {  	v6 =	vsel vm2, $0xFFFFFFFE, v1;
	v7 =	vld [tilespmem:s19+$0x20]  }
0x13f: {  	v4 =	vsel vm0, v4, v6  }
0x140: {  	[tilespmem:s19+$0x1000] =	vst v4  }
0x141: {  	v4 =	vld.idx.msk [tilespmem:v5+s16+$0x0], $0xffff;
	_ =	sdelay $0x1  }
0x142: {  	vm2 =	vgt.s32 v7, $0xFFFFFFFF;
	v5 =	vadd.s32 $0xC8, v7  }
0x143: {  	v5 =	vnsel vm2, $0x0, v5  }
0x144: {  	vm3 =	veq.s32 v3, $0xFFFFFFFE  }
0x145: {  	v3 =	vsel vm3, $0xFFFFFFFE, v1;
	v6 =	vld [tilespmem:s19+$0x30]  }
0x146: {  	v3 =	vsel vm1, v4, v3  }
0x147: {  	[tilespmem:s19+$0x1010] =	vst v3  }
0x148: {  	v4 =	vld.idx.msk [tilespmem:v5+s16+$0x0], $0xffff;
	_ =	sdelay $0x1  }
0x149: {  	vm3 =	vgt.s32 v6, $0xFFFFFFFF;
	v3 =	vadd.s32 $0xC8, v6  }
0x14a: {  	v5 =	vnsel vm3, $0x0, v3  }
0x14b: {  	vm4 =	veq.s32 v7, $0xFFFFFFFE  }
0x14c: {  	v7 =	vsel vm4, $0xFFFFFFFE, v1;
	v3 =	vld [tilespmem:s19+$0x40]  }
0x14d: {  	v4 =	vsel vm2, v4, v7  }
0x14e: {  	[tilespmem:s19+$0x1020] =	vst v4  }
.Ltmp5:
0x14f: {  	v4 =	vld.idx.msk [tilespmem:v5+s16+$0x0], $0xffff;
	(pc) =	sbr.rel @p1 .LBB2_8-.Ltmp5, $4  }
0x150: {  	_ = 	snop  }
0x151: {  	vm4 =	vgt.s32 v3, $0xFFFFFFFF;
	v5 =	vadd.s32 $0xC8, v3  }
0x152: {  	v5 =	vnsel vm4, $0x0, v5  }
0x153: {  	s20 =	sshra.s32 s21, $0x2;
	s21 =	sadd.s32 $0x140, s21;
	vm5 =	veq.s32 v6, $0xFFFFFFFE  }
0x154: {  	v6 =	vld [tilespmem:s20+$0x0]  }
0x155: {  	v7 =	vsel vm5, $0xFFFFFFFE, v1  }
0x156: {  	v4 =	vsel vm3, v4, v7  }
0x157: {  	[tilespmem:s19+$0x1030] =	vst v4  }
0x158: {  	v4 =	vld.idx.msk [tilespmem:v5+s16+$0x0], $0xffff  }
0x159: {  	vm5 =	vgt.s32 v6, $0xFFFFFFFF;
	v5 =	vadd.s32 $0xC8, v6  }
0x15a: {  	v5 =	vnsel vm5, $0x0, v5  }
0x15b: {  	vm6 =	veq.s32 v3, $0xFFFFFFFE;
	v3 =	vld [tilespmem:s20+$0x10]  }
0x15c: {  	v7 =	vsel vm6, $0xFFFFFFFE, v1  }
0x15d: {  	v4 =	vsel vm4, v4, v7  }
0x15e: {  	[tilespmem:s19+$0x1040] =	vst v4  }
0x15f: {  	v4 =	vld.idx.msk [tilespmem:v5+s16+$0x0], $0xffff  }
0x160: {  	vm6 =	vgt.s32 v3, $0xFFFFFFFF;
	v5 =	vadd.s32 $0xC8, v3  }
0x161: {  	v5 =	vnsel vm6, $0x0, v5  }
0x162: {  	vm7 =	veq.s32 v6, $0xFFFFFFFE;
	v6 =	vld [tilespmem:s20+$0x20]  }
0x163: {  	v7 =	vsel vm7, $0xFFFFFFFE, v1  }
0x164: {  	v4 =	vsel vm5, v4, v7  }
0x165: {  	[tilespmem:s20+$0x1000] =	vst v4  }
0x166: {  	v4 =	vld.idx.msk [tilespmem:v5+s16+$0x0], $0xffff  }
0x167: {  	vm7 =	vgt.s32 v6, $0xFFFFFFFF;
	v5 =	vadd.s32 $0xC8, v6  }
0x168: {  	v5 =	vnsel vm7, $0x0, v5  }
0x169: {  	vm8 =	veq.s32 v3, $0xFFFFFFFE;
	v3 =	vld [tilespmem:s20+$0x30]  }
0x16a: {  	v7 =	vsel vm8, $0xFFFFFFFE, v1  }
0x16b: {  	v4 =	vsel vm6, v4, v7  }
0x16c: {  	[tilespmem:s20+$0x1010] =	vst v4  }
0x16d: {  	v4 =	vld.idx.msk [tilespmem:v5+s16+$0x0], $0xffff  }
0x16e: {  	vm14 =	vgt.s32 v3, $0xFFFFFFFF;
	v5 =	vadd.s32 $0xC8, v3  }
0x16f: {  	v5 =	vnsel vm14, $0x0, v5  }
0x170: {  	vm9 =	veq.s32 v6, $0xFFFFFFFE;
	v6 =	vld [tilespmem:s20+$0x40]  }
0x171: {  	v7 =	vsel vm9, $0xFFFFFFFE, v1  }
0x172: {  	v4 =	vsel vm7, v4, v7  }
0x173: {  	[tilespmem:s20+$0x1020] =	vst v4  }
0x174: {  	v4 =	vld.idx.msk [tilespmem:v5+s16+$0x0], $0xffff  }
0x175: {  	vm15 =	vgt.s32 v6, $0xFFFFFFFF;
	v5 =	vadd.s32 $0xC8, v6  }
0x176: {  	v5 =	vnsel vm15, $0x0, v5  }
0x177: {  	v7 =	vsel vm0, $0x1, v0;
	vm0 =	veq.s32 v3, $0xFFFFFFFE  }
0x178: {  	v3 =	vsel vm1, $0x1, v0;
	v8 =	vsel vm0, $0xFFFFFFFE, v1;
	v2 =	vadd.s32 v7, v2  }
0x179: {  	v7 =	vsel vm2, $0x1, v0;
	v2 =	vadd.s32 v3, v2;
	v3 =	vsel vm14, v4, v8  }
0x17a: {  	v2 =	vadd.s32 v7, v2;
	v4 =	vsel vm3, $0x1, v0;
	[tilespmem:s20+$0x1030] =	vst v3  }
0x17b: {  	v2 =	vadd.s32 v4, v2;
	v3 =	vsel vm4, $0x1, v0;
	v4 =	vld.idx.msk [tilespmem:v5+s16+$0x0], $0xffff  }
0x17c: {  	v2 =	vadd.s32 v3, v2;
	v3 =	vsel vm5, $0x1, v0  }
0x17d: {  	v2 =	vadd.s32 v3, v2;
	v3 =	vsel vm6, $0x1, v0  }
0x17e: {  	vm0 =	veq.s32 v6, $0xFFFFFFFE;
	v2 =	vadd.s32 v3, v2;
	v3 =	vsel vm7, $0x1, v0  }
0x17f: {  	v5 =	vsel vm0, $0xFFFFFFFE, v1;
	v2 =	vadd.s32 v3, v2;
	v3 =	vsel vm14, $0x1, v0  }
0x180: {  	v2 =	vadd.s32 v3, v2;
	v3 =	vsel vm15, v4, v5;
	v4 =	vsel vm15, $0x1, v0  }
0x181: {  	[tilespmem:s20+$0x1040] =	vst v3;
	v2 =	vadd.s32 v4, v2  }
0x182: {  	s31 =	simm.s32 $0x0;
	[tilespmem:$0x2220] =	vst v2  }
0x183: {  	[hbm4b:s9+s31] =	stream.linear.scatter [tilespmem:s17], [sflag:$0x1], $0xFA0, $0x38;
	[tilespmem:$0x2280] =	vst v63  }
0x184: {  	_ =	swait.ge [sflag:s15], $0xFA0  }
0x185: {  	[sflag:s15] =	ssyncset.done $0x0  }
0x186: {  	[sflag:s15] =	ssyncadd.s32 $0xFFFFF060  }
0x187: {  	[tilespmem:s31], [sflag:$0x1] =	stream.linear.gather [hbm4b:s10+s31], $0xFA0, $0x38;
	[tilespmem:$0x2280] =	vst v63  }
0x188: {  	_ =	swait.ge [sflag:s15], $0xFA0  }
0x189: {  	[sflag:s15] =	ssyncset.done $0x0  }
0x18a: {  	s19 =	simm.s32 $0x0;
	[sflag:s15] =	ssyncadd.s32 $0xFFFFF060  }
0x18b: {  	v2 =	vld [tilespmem:s19+$0x0];
	_ =	sdelay $0x4  }
0x18c: {  	vm0 =	vgt.s32 v2, $0xFFFFFFFF;
	v3 =	vadd.s32 $0x12C, v2  }
0x18d: {  	v3 =	vnsel vm0, $0x0, v3  }
0x18e: {  	v4 =	vld [tilespmem:s19+$0x10];
	_ =	sdelay $0x3  }
0x18f: {  	v3 =	vld.idx.msk [tilespmem:v3+s16+$0x0], $0xffff  }
0x190: {  	vm1 =	vgt.s32 v4, $0xFFFFFFFF;
	v5 =	vadd.s32 $0x12C, v4  }
0x191: {  	v5 =	vnsel vm1, $0x0, v5  }
0x192: {  	vm2 =	veq.s32 v2, $0xFFFFFFFE;
	v2 =	vld [tilespmem:s19+$0x20]  }
0x193: {  	v6 =	vsel vm2, $0xFFFFFFFE, v1  }
0x194: {  	v3 =	vsel vm0, v3, v6  }
0x195: {  	[tilespmem:s19+$0x1000] =	vst v3  }
0x196: {  	v3 =	vld.idx.msk [tilespmem:v5+s16+$0x0], $0xffff  }
0x197: {  	vm2 =	vgt.s32 v2, $0xFFFFFFFF;
	v5 =	vadd.s32 $0x12C, v2  }
0x198: {  	v5 =	vnsel vm2, $0x0, v5  }
0x199: {  	vm3 =	veq.s32 v4, $0xFFFFFFFE;
	v6 =	vld [tilespmem:s19+$0x30]  }
0x19a: {  	v4 =	vsel vm3, $0xFFFFFFFE, v1  }
0x19b: {  	v3 =	vsel vm1, v3, v4  }
0x19c: {  	[tilespmem:s19+$0x1010] =	vst v3  }
0x19d: {  	v4 =	vld.idx.msk [tilespmem:v5+s16+$0x0], $0xffff  }
0x19e: {  	vm3 =	vgt.s32 v6, $0xFFFFFFFF;
	v5 =	vadd.s32 $0x12C, v6  }
0x19f: {  	v5 =	vnsel vm3, $0x0, v5  }
0x1a0: {  	vm4 =	veq.s32 v2, $0xFFFFFFFE;
	v3 =	vld [tilespmem:s19+$0x40]  }
0x1a1: {  	v2 =	vsel vm4, $0xFFFFFFFE, v1  }
0x1a2: {  	v2 =	vsel vm2, v4, v2  }
0x1a3: {  	[tilespmem:s19+$0x1020] =	vst v2  }
0x1a4: {  	v4 =	vld.idx.msk [tilespmem:v5+s16+$0x0], $0xffff  }
0x1a5: {  	vm4 =	vgt.s32 v3, $0xFFFFFFFF;
	v7 =	vadd.s32 $0x12C, v3  }
0x1a6: {  	v5 =	vnsel vm4, $0x0, v7  }
0x1a7: {  	s21 =	simm.s32 $0x280;
	s20 =	simm.s32 $0x50;
	vm5 =	veq.s32 v6, $0xFFFFFFFE;
	v2 =	vimm.s32 $0x0  }
.LBB2_10:
0x1a8: {  	p1 =	sne.s32 s21, $0x3D40;
	v6 =	vld [tilespmem:s20+$0x0];
	v7 =	vsel vm5, $0xFFFFFFFE, v1  }
0x1a9: {  	v4 =	vsel vm3, v4, v7  }
0x1aa: {  	[tilespmem:s19+$0x1030] =	vst v4  }
0x1ab: {  	v4 =	vld.idx.msk [tilespmem:v5+s16+$0x0], $0xffff;
	_ =	sdelay $0x1  }
0x1ac: {  	v7 =	vsel vm0, $0x1, v0;
	v5 =	vadd.s32 $0x12C, v6;
	vm0 =	vgt.s32 v6, $0xFFFFFFFF  }
0x1ad: {  	v2 =	vadd.s32 v7, v2;
	v7 =	vsel vm1, $0x1, v0;
	v5 =	vnsel vm0, $0x0, v5  }
0x1ae: {  	vm1 =	veq.s32 v3, $0xFFFFFFFE;
	v2 =	vadd.s32 v7, v2;
	v7 =	vsel vm2, $0x1, v0  }
0x1af: {  	v8 =	vsel vm1, $0xFFFFFFFE, v1;
	v2 =	vadd.s32 v7, v2;
	v7 =	vsel vm3, $0x1, v0;
	v3 =	vld [tilespmem:s20+$0x10]  }
0x1b0: {  	v2 =	vadd.s32 v7, v2;
	v7 =	vsel vm4, $0x1, v0;
	v4 =	vsel vm4, v4, v8  }
0x1b1: {  	v2 =	vadd.s32 v7, v2;
	[tilespmem:s19+$0x1040] =	vst v4;
	s19 =	smov.u32 s20  }
0x1b2: {  	v4 =	vld.idx.msk [tilespmem:v5+s16+$0x0], $0xffff;
	_ =	sdelay $0x1  }
0x1b3: {  	vm1 =	vgt.s32 v3, $0xFFFFFFFF;
	v5 =	vadd.s32 $0x12C, v3  }
0x1b4: {  	v5 =	vnsel vm1, $0x0, v5  }
0x1b5: {  	vm2 =	veq.s32 v6, $0xFFFFFFFE  }
0x1b6: {  	v6 =	vsel vm2, $0xFFFFFFFE, v1;
	v7 =	vld [tilespmem:s19+$0x20]  }
0x1b7: {  	v4 =	vsel vm0, v4, v6  }
0x1b8: {  	[tilespmem:s19+$0x1000] =	vst v4  }
0x1b9: {  	v4 =	vld.idx.msk [tilespmem:v5+s16+$0x0], $0xffff;
	_ =	sdelay $0x1  }
0x1ba: {  	vm2 =	vgt.s32 v7, $0xFFFFFFFF;
	v5 =	vadd.s32 $0x12C, v7  }
0x1bb: {  	v5 =	vnsel vm2, $0x0, v5  }
0x1bc: {  	vm3 =	veq.s32 v3, $0xFFFFFFFE  }
0x1bd: {  	v3 =	vsel vm3, $0xFFFFFFFE, v1;
	v6 =	vld [tilespmem:s19+$0x30]  }
0x1be: {  	v3 =	vsel vm1, v4, v3  }
0x1bf: {  	[tilespmem:s19+$0x1010] =	vst v3  }
0x1c0: {  	v4 =	vld.idx.msk [tilespmem:v5+s16+$0x0], $0xffff;
	_ =	sdelay $0x1  }
0x1c1: {  	vm3 =	vgt.s32 v6, $0xFFFFFFFF;
	v3 =	vadd.s32 $0x12C, v6  }
0x1c2: {  	v5 =	vnsel vm3, $0x0, v3  }
0x1c3: {  	vm4 =	veq.s32 v7, $0xFFFFFFFE  }
0x1c4: {  	v7 =	vsel vm4, $0xFFFFFFFE, v1;
	v3 =	vld [tilespmem:s19+$0x40]  }
0x1c5: {  	v4 =	vsel vm2, v4, v7  }
0x1c6: {  	[tilespmem:s19+$0x1020] =	vst v4  }
.Ltmp6:
0x1c7: {  	v4 =	vld.idx.msk [tilespmem:v5+s16+$0x0], $0xffff;
	(pc) =	sbr.rel @p1 .LBB2_10-.Ltmp6, $4  }
0x1c8: {  	_ = 	snop  }
0x1c9: {  	vm4 =	vgt.s32 v3, $0xFFFFFFFF;
	v5 =	vadd.s32 $0x12C, v3  }
0x1ca: {  	v5 =	vnsel vm4, $0x0, v5  }
0x1cb: {  	s20 =	sshra.s32 s21, $0x2;
	s21 =	sadd.s32 $0x140, s21;
	vm5 =	veq.s32 v6, $0xFFFFFFFE  }
0x1cc: {  	v6 =	vld [tilespmem:s20+$0x0]  }
0x1cd: {  	v7 =	vsel vm5, $0xFFFFFFFE, v1  }
0x1ce: {  	v4 =	vsel vm3, v4, v7  }
0x1cf: {  	[tilespmem:s19+$0x1030] =	vst v4  }
0x1d0: {  	v4 =	vld.idx.msk [tilespmem:v5+s16+$0x0], $0xffff  }
0x1d1: {  	vm5 =	vgt.s32 v6, $0xFFFFFFFF;
	v47 =	vadd.s32 $0x12C, v6  }
0x1d2: {  	v5 =	vnsel vm5, $0x0, v47  }
0x1d3: {  	vm6 =	veq.s32 v3, $0xFFFFFFFE;
	v3 =	vld [tilespmem:s20+$0x10]  }
0x1d4: {  	v48 =	vsel vm6, $0xFFFFFFFE, v1  }
0x1d5: {  	v4 =	vsel vm4, v4, v48  }
0x1d6: {  	[tilespmem:s19+$0x1040] =	vst v4  }
0x1d7: {  	v4 =	vld.idx.msk [tilespmem:v5+s16+$0x0], $0xffff  }
0x1d8: {  	vm6 =	vgt.s32 v3, $0xFFFFFFFF;
	v49 =	vadd.s32 $0x12C, v3  }
0x1d9: {  	v5 =	vnsel vm6, $0x0, v49  }
0x1da: {  	vm7 =	veq.s32 v6, $0xFFFFFFFE;
	v50 =	vld [tilespmem:s20+$0x20]  }
0x1db: {  	v51 =	vsel vm7, $0xFFFFFFFE, v1  }
0x1dc: {  	v4 =	vsel vm5, v4, v51  }
0x1dd: {  	[tilespmem:s20+$0x1000] =	vst v4  }
0x1de: {  	v4 =	vld.idx.msk [tilespmem:v5+s16+$0x0], $0xffff  }
0x1df: {  	vm15 =	vgt.s32 v50, $0xFFFFFFFF;
	v52 =	vadd.s32 $0x12C, v50  }
0x1e0: {  	v5 =	vnsel vm15, $0x0, v52  }
0x1e1: {  	vm8 =	veq.s32 v3, $0xFFFFFFFE;
	v3 =	vld [tilespmem:s20+$0x30]  }
0x1e2: {  	v53 =	vsel vm8, $0xFFFFFFFE, v1  }
0x1e3: {  	v4 =	vsel vm6, v4, v53  }
0x1e4: {  	[tilespmem:s20+$0x1010] =	vst v4  }
0x1e5: {  	v4 =	vld.idx.msk [tilespmem:v5+s16+$0x0], $0xffff  }
0x1e6: {  	vm12 =	vgt.s32 v3, $0xFFFFFFFF;
	v54 =	vadd.s32 $0x12C, v3  }
0x1e7: {  	v5 =	vnsel vm12, $0x0, v54  }
0x1e8: {  	v55 =	vld [tilespmem:s20+$0x40];
	vm9 =	veq.s32 v50, $0xFFFFFFFE  }
0x1e9: {  	v56 =	vsel vm9, $0xFFFFFFFE, v1  }
0x1ea: {  	v4 =	vsel vm15, v4, v56  }
0x1eb: {  	[tilespmem:s20+$0x1020] =	vst v4  }
0x1ec: {  	v4 =	vld.idx.msk [tilespmem:v5+s16+$0x0], $0xffff  }
0x1ed: {  	vm13 =	vgt.s32 v55, $0xFFFFFFFF;
	v57 =	vadd.s32 $0x12C, v55  }
0x1ee: {  	v5 =	vnsel vm13, $0x0, v57  }
0x1ef: {  	v58 =	vsel vm0, $0x1, v0;
	vm14 =	veq.s32 v3, $0xFFFFFFFE  }
0x1f0: {  	v2 =	vadd.s32 v58, v2;
	v3 =	vsel vm1, $0x1, v0;
	v8 =	vsel vm14, $0xFFFFFFFE, v1  }
0x1f1: {  	v59 =	vsel vm2, $0x1, v0;
	v2 =	vadd.s32 v3, v2;
	v3 =	vsel vm12, v4, v8  }
0x1f2: {  	v60 =	vsel vm3, $0x1, v0;
	v2 =	vadd.s32 v59, v2;
	[tilespmem:s20+$0x1030] =	vst v3  }
0x1f3: {  	v2 =	vadd.s32 v60, v2;
	v3 =	vsel vm4, $0x1, v0;
	v61 =	vld.idx.msk [tilespmem:v5+s16+$0x0], $0xffff  }
0x1f4: {  	v2 =	vadd.s32 v3, v2;
	v3 =	vsel vm5, $0x1, v0  }
0x1f5: {  	v2 =	vadd.s32 v3, v2;
	v3 =	vsel vm6, $0x1, v0  }
0x1f6: {  	v2 =	vadd.s32 v3, v2;
	v3 =	vsel vm15, $0x1, v0;
	vm15 =	veq.s32 v55, $0xFFFFFFFE  }
0x1f7: {  	v2 =	vadd.s32 v3, v2;
	v3 =	vsel vm12, $0x1, v0;
	v62 =	vsel vm15, $0xFFFFFFFE, v1  }
0x1f8: {  	v63 =	vsel vm13, $0x1, v0;
	v2 =	vadd.s32 v3, v2;
	v3 =	vsel vm13, v61, v62  }
0x1f9: {  	v2 =	vadd.s32 v63, v2;
	[tilespmem:s20+$0x1040] =	vst v3  }
.Ltmp7:
0x1fa: {  	[tilespmem:$0x2230] =	vst v2;
	(pc) =	sbr.rel .LBB2_12-.Ltmp7, $4  }
0x1fb: {  	[hbm4b:s11+s3] =	stream.linear.scatter [tilespmem:s17], [sflag:$0x1], $0xFA0, $0x38;
	[tilespmem:$0x2280] =	vst v63  }
0x1fc: {  	_ =	swait.ge [sflag:s15], $0xFA0  }
0x1fd: {  	[sflag:s15] =	ssyncset.done $0x0  }
0x1fe: {  	[sflag:s15] =	ssyncadd.s32 $0xFFFFF060  }
.LBB2_13:
0x1ff: {  	_ =	sfence.sel $0x180000  }
0x200: {  	[bflag:$0x0] =	sbarrier.arrive $0xFFFF  }
0x201: {  	p0 =	sne.s32 s0, $0x0;
	_ =	strace $0x90000047  }
0x202: {  	s0 =	sadd.s32 @!p0 $0x100000, s1;
	[bflag:$0x2] =	sbarrier.arrive $0xFFFF  }
0x203: {  	[sflag:s0] =	ssyncadd.tile.s32 @!p0 $0x1;
	_ =	shalt  }
.Lfunc_end2:
_tile_overlayer_lowered:
.L_overlay_start_2:
0x204: {  	(tag) =	ssettag $0x2  }
0x205: {  	s0 =	rddreg [dreg:$0x0];
	s2 =	stileid.u32  }
0x206: {  	s1 =	rddreg [dreg:$0x1];
	p0 =	sne.s32 s2, $0x0  }
0x207: {  	s3 =	rddreg [dreg:$0x2];
	[bflag:$0x3] =	sbarrier.arrive $0xFFFF;
	s2 =	simm.s32 @!p0 $0x1C01  }
0x208: {  	[timem:s3], [sflag:s2] =	dma.local @!p0 [hbm:s0], s1  }
0x209: {  	s0 =	simm.s32 @!p0 $0x1  }
0x20a: {  	_ =	swait.ge @!p0 [sflag:s0], s1  }
0x20b: {  	s1 =	ssub.s32 @!p0 $0x0, s1;
	[sflag:s0] =	ssyncset.done @!p0 $0x0  }
0x20c: {  	[sflag:s0] =	ssyncadd.s32 @!p0 s1  }
0x20d: {  	[bflag:$0x3] =	sbarrier.arrive $0xFFFF  }
0x20e: {  	_ =	shalt  }

</sc_bundles>
